<compile_context>
chip_gen: v7x
topology: tpu7x:2x2x1
jax: 0.10.2.dev20260603
libtpu: 0.0.44.dev20260713+nightly
codegen_flags: <defaults>
</compile_context>

<pallas_src>
import functools

import jax
import jax.numpy as jnp
from jax import lax
from jax.experimental import pallas as pl
from jax.experimental.pallas import tpu as pltpu
from jax.experimental.pallas import tpu_sc as plsc

T = 2048
D = 768
H = 12
KVH = 4
HD = 64
E = 8
K = 2
I = 1536
THETA = 10000.0
CLIP = 8.0
QW = H * HD
KVW = KVH * HD
HALF = HD // 2
SCALE = HD ** -0.5
REP = H // KVH

BT1 = 256
BTQ = 512
BK = 512

BCH = 256
NPAD = 6144
NCH = NPAD // BCH
NC = 2
NS = 16
NW = NC * NS
TPW = T // NW


def _silu(x):
    return x / (1.0 + jnp.exp(-x))



def _k1_body(hs_ref, w_ref, b_ref, wqkv_ref, cos_ref, sin_ref,
             q_ref, k_ref, v_ref):
    x = hs_ref[...]
    mu = jnp.mean(x, axis=-1, keepdims=True)
    var = jnp.mean((x - mu) ** 2, axis=-1, keepdims=True)
    xn = (x - mu) * jax.lax.rsqrt(var + 1e-5) * w_ref[...] + b_ref[...]
    qkv = jax.lax.dot_general(
        xn.astype(jnp.bfloat16), wqkv_ref[...].astype(jnp.bfloat16),
        (((1,), (1,)), ((), ())), preferred_element_type=jnp.float32)
    qkv = jnp.clip(qkv, -CLIP, CLIP)
    cos = cos_ref[...]
    sin = sin_ref[...]
    for h in range(H):
        base = h * HD
        x1 = qkv[:, base:base + HALF]
        x2 = qkv[:, base + HALF:base + HD]
        q_ref[h, :, :HALF] = ((x1 * cos - x2 * sin) * SCALE).astype(jnp.bfloat16)
        q_ref[h, :, HALF:] = ((x1 * sin + x2 * cos) * SCALE).astype(jnp.bfloat16)
    for h in range(KVH):
        base = QW + h * HD
        x1 = qkv[:, base:base + HALF]
        x2 = qkv[:, base + HALF:base + HD]
        k_ref[h, :, :HALF] = (x1 * cos - x2 * sin).astype(jnp.bfloat16)
        k_ref[h, :, HALF:] = (x1 * sin + x2 * cos).astype(jnp.bfloat16)
        vbase = QW + KVW + h * HD
        v_ref[h, :, :] = qkv[:, vbase:vbase + HD].astype(jnp.bfloat16)


def _run_k1(hs, n1w, n1b, wqkv, cos, sin):
    grid = (T // BT1,)
    return pl.pallas_call(
        _k1_body,
        grid=grid,
        in_specs=[
            pl.BlockSpec((BT1, D), lambda i: (i, 0)),
            pl.BlockSpec((D,), lambda i: (0,)),
            pl.BlockSpec((D,), lambda i: (0,)),
            pl.BlockSpec((QW + 2 * KVW, D), lambda i: (0, 0)),
            pl.BlockSpec((BT1, HALF), lambda i: (i, 0)),
            pl.BlockSpec((BT1, HALF), lambda i: (i, 0)),
        ],
        out_specs=[
            pl.BlockSpec((H, BT1, HD), lambda i: (0, i, 0)),
            pl.BlockSpec((KVH, BT1, HD), lambda i: (0, i, 0)),
            pl.BlockSpec((KVH, BT1, HD), lambda i: (0, i, 0)),
        ],
        out_shape=[
            jax.ShapeDtypeStruct((H, T, HD), jnp.bfloat16),
            jax.ShapeDtypeStruct((KVH, T, HD), jnp.bfloat16),
            jax.ShapeDtypeStruct((KVH, T, HD), jnp.bfloat16),
        ],
    )(hs, n1w, n1b, wqkv, cos, sin)



def _k2_body(q_ref, k_ref, v_ref, o_ref):
    qi = pl.program_id(1)
    q = q_ref[0]

    def step(j, carry, masked):
        m, l, acc = carry
        kc = k_ref[0, pl.ds(j * BK, BK), :]
        s = jax.lax.dot_general(q, kc, (((1,), (1,)), ((), ())),
                                preferred_element_type=jnp.float32)
        if masked:
            rows = jax.lax.broadcasted_iota(jnp.int32, (BTQ, BK), 0)
            cols = jax.lax.broadcasted_iota(jnp.int32, (BTQ, BK), 1)
            s = jnp.where(rows >= cols, s, -1e30)
        mc = jnp.max(s, axis=-1, keepdims=True)
        mn = jnp.maximum(m, mc)
        p = jnp.exp(s - mn)
        corr = jnp.exp(m - mn)
        l = l * corr + jnp.sum(p, axis=-1, keepdims=True)
        vc = v_ref[0, pl.ds(j * BK, BK), :]
        acc = acc * corr + jnp.dot(p.astype(jnp.bfloat16), vc,
                                   preferred_element_type=jnp.float32)
        return mn, l, acc

    m0 = jnp.full((BTQ, 1), -1e30, jnp.float32)
    l0 = jnp.zeros((BTQ, 1), jnp.float32)
    a0 = jnp.zeros((BTQ, HD), jnp.float32)
    carry = jax.lax.fori_loop(0, qi, lambda j, c: step(j, c, False),
                              (m0, l0, a0))
    m, l, acc = step(qi, carry, True)
    o_ref[0] = acc / l


def _run_k2(q, k, v):
    grid = (H, T // BTQ)
    return pl.pallas_call(
        _k2_body,
        grid=grid,
        in_specs=[
            pl.BlockSpec((1, BTQ, HD), lambda h, i: (h, i, 0)),
            pl.BlockSpec((1, T, HD), lambda h, i: (h // REP, 0, 0)),
            pl.BlockSpec((1, T, HD), lambda h, i: (h // REP, 0, 0)),
        ],
        out_specs=pl.BlockSpec((1, BTQ, HD), lambda h, i: (h, i, 0)),
        out_shape=jax.ShapeDtypeStruct((H, T, HD), jnp.float32),
    )(q, k, v)



def _k3_body(attn_ref, wout_ref, res_ref, w_ref, b_ref, wr_ref,
             h_ref, x2_ref, e1_ref, e2_ref, r1_ref, r2_ref,
             w1_ref, w2_ref, cnt_ref, run_ref):
    i = pl.program_id(0)
    a = jnp.concatenate([attn_ref[h] for h in range(H)], axis=-1)
    a = a.astype(jnp.bfloat16)
    h = res_ref[...] + jax.lax.dot_general(
        a, wout_ref[...].astype(jnp.bfloat16), (((1,), (1,)), ((), ())),
        preferred_element_type=jnp.float32)
    h_ref[...] = h
    mu = jnp.mean(h, axis=-1, keepdims=True)
    var = jnp.mean((h - mu) ** 2, axis=-1, keepdims=True)
    x2 = (h - mu) * jax.lax.rsqrt(var + 1e-5) * w_ref[...] + b_ref[...]
    x2_ref[...] = x2
    logits = jax.lax.dot_general(x2, wr_ref[...], (((1,), (1,)), ((), ())),
                                 preferred_element_type=jnp.float32)
    mx = jnp.max(logits, axis=-1, keepdims=True)
    ex = jnp.exp(logits - mx)
    w_all = ex / jnp.sum(ex, axis=-1, keepdims=True)
    idx = jax.lax.broadcasted_iota(jnp.int32, (BT1, E), 1)
    m1 = jnp.max(w_all, axis=-1, keepdims=True)
    am1 = jnp.min(jnp.where(w_all == m1, idx, E), axis=-1, keepdims=True)
    is1 = idx == am1
    w_rest = jnp.where(is1, -1.0, w_all)
    m2 = jnp.max(w_rest, axis=-1, keepdims=True)
    am2 = jnp.min(jnp.where(w_rest == m2, idx, E), axis=-1, keepdims=True)
    is2 = idx == am2
    tot = m1 + m2
    w1_ref[...] = m1 / tot
    w2_ref[...] = m2 / tot
    e1_ref[...] = am1.astype(jnp.float32)
    e2_ref[...] = am2.astype(jnp.float32)

    mask1 = is1.astype(jnp.float32)
    mask2 = is2.astype(jnp.float32)
    m = mask1 + mask2

    @pl.when(i == 0)
    def _():
        run_ref[...] = jnp.zeros((1, E), jnp.float32)

    base = run_ref[...]
    rows = jax.lax.broadcasted_iota(jnp.int32, (BT1, BT1), 0)
    cols = jax.lax.broadcasted_iota(jnp.int32, (BT1, BT1), 1)
    strict_tril = (rows > cols).astype(jnp.float32)
    excl = jax.lax.dot_general(strict_tril, m, (((1,), (0,)), ((), ())),
                               preferred_element_type=jnp.float32) + base
    r1_ref[...] = jnp.sum(mask1 * excl, axis=-1, keepdims=True)
    r2_ref[...] = jnp.sum(mask2 * excl, axis=-1, keepdims=True)
    run_ref[...] = base + jnp.sum(m, axis=0, keepdims=True)
    cnt_ref[...] = run_ref[...]


def _run_k3(attn, wout, res, n2w, n2b, wr):
    grid = (T // BT1,)
    return pl.pallas_call(
        _k3_body,
        grid=grid,
        in_specs=[
            pl.BlockSpec((H, BT1, HD), lambda i: (0, i, 0)),
            pl.BlockSpec((D, QW), lambda i: (0, 0)),
            pl.BlockSpec((BT1, D), lambda i: (i, 0)),
            pl.BlockSpec((D,), lambda i: (0,)),
            pl.BlockSpec((D,), lambda i: (0,)),
            pl.BlockSpec((E, D), lambda i: (0, 0)),
        ],
        out_specs=[
            pl.BlockSpec((BT1, D), lambda i: (i, 0)),
            pl.BlockSpec((BT1, D), lambda i: (i, 0)),
            pl.BlockSpec((BT1, 1), lambda i: (i, 0)),
            pl.BlockSpec((BT1, 1), lambda i: (i, 0)),
            pl.BlockSpec((BT1, 1), lambda i: (i, 0)),
            pl.BlockSpec((BT1, 1), lambda i: (i, 0)),
            pl.BlockSpec((BT1, 1), lambda i: (i, 0)),
            pl.BlockSpec((BT1, 1), lambda i: (i, 0)),
            pl.BlockSpec((1, E), lambda i: (0, 0)),
        ],
        out_shape=[
            jax.ShapeDtypeStruct((T, D), jnp.float32),
            jax.ShapeDtypeStruct((T, D), jnp.float32),
            jax.ShapeDtypeStruct((T, 1), jnp.float32),
            jax.ShapeDtypeStruct((T, 1), jnp.float32),
            jax.ShapeDtypeStruct((T, 1), jnp.float32),
            jax.ShapeDtypeStruct((T, 1), jnp.float32),
            jax.ShapeDtypeStruct((T, 1), jnp.float32),
            jax.ShapeDtypeStruct((T, 1), jnp.float32),
            jax.ShapeDtypeStruct((1, E), jnp.float32),
        ],
        scratch_shapes=[pltpu.VMEM((1, E), jnp.float32)],
    )(attn, wout, res, n2w, n2b, wr)



@functools.cache
def _sc_kernels():
    mesh = plsc.VectorSubcoreMesh(core_axis_name="c", subcore_axis_name="s")

    @functools.partial(
        pl.kernel,
        mesh=mesh,
        out_type=jax.ShapeDtypeStruct((NPAD, D), jnp.float32),
        scratch_types=[
            pltpu.VMEM((K, TPW), jnp.int32),
            pltpu.VMEM((TPW, D), jnp.float32),
            pltpu.SemaphoreType.DMA,
        ],
    )
    def sc_dispatch(x2_hbm, idx_hbm, buf_hbm, idx_v, rows_v, sem):
        wid = lax.axis_index("s") * NC + lax.axis_index("c")
        pltpu.sync_copy(idx_hbm.at[wid], idx_v)
        pltpu.sync_copy(x2_hbm.at[pl.ds(wid * TPW, TPW)], rows_v)
        c1 = pltpu.async_copy(rows_v, buf_hbm.at[idx_v.at[0]], sem)
        c2 = pltpu.async_copy(rows_v, buf_hbm.at[idx_v.at[1]], sem)
        c1.wait()
        c2.wait()

    @functools.partial(
        pl.kernel,
        mesh=mesh,
        out_type=jax.ShapeDtypeStruct((2 * T, D), jnp.float32),
        scratch_types=[
            pltpu.VMEM((K, TPW), jnp.int32),
            pltpu.VMEM((TPW, D), jnp.float32),
            pltpu.VMEM((TPW, D), jnp.float32),
            pltpu.SemaphoreType.DMA,
        ],
    )
    def sc_combine_gather(y_hbm, idx_hbm, out_hbm, idx_v, r1_v, r2_v, sem):
        wid = lax.axis_index("s") * NC + lax.axis_index("c")
        pltpu.sync_copy(idx_hbm.at[wid], idx_v)
        c1 = pltpu.async_copy(y_hbm.at[idx_v.at[0]], r1_v, sem)
        c2 = pltpu.async_copy(y_hbm.at[idx_v.at[1]], r2_v, sem)
        c1.wait()
        c2.wait()
        pltpu.sync_copy(r1_v, out_hbm.at[pl.ds(wid * TPW, TPW)])
        pltpu.sync_copy(r2_v, out_hbm.at[pl.ds(T + wid * TPW, TPW)])

    return sc_dispatch, sc_combine_gather



def _k5_body(cmap_ref, buf_ref, ws_ref, w2_ref, y_ref):
    c = pl.program_id(0)

    @pl.when(c < cmap_ref[NCH])
    def _():
        x = buf_ref[...].astype(jnp.bfloat16)
        w1 = ws_ref[0, :I, :].astype(jnp.bfloat16)
        v1 = ws_ref[0, I:, :].astype(jnp.bfloat16)
        w2 = w2_ref[0].astype(jnp.bfloat16)
        g = jax.lax.dot_general(x, w1, (((1,), (1,)), ((), ())),
                                preferred_element_type=jnp.float32)
        u = jax.lax.dot_general(x, v1, (((1,), (1,)), ((), ())),
                                preferred_element_type=jnp.float32)
        act = (_silu(g) * u).astype(jnp.bfloat16)
        y_ref[...] = jax.lax.dot_general(act, w2, (((1,), (1,)), ((), ())),
                                         preferred_element_type=jnp.float32)


def _run_k5(cmap, buf, ws, w2s):
    grid_spec = pltpu.PrefetchScalarGridSpec(
        num_scalar_prefetch=1,
        grid=(NCH,),
        in_specs=[
            pl.BlockSpec((BCH, D), lambda c, m: (c, 0)),
            pl.BlockSpec((1, 2 * I, D), lambda c, m: (m[c], 0, 0)),
            pl.BlockSpec((1, D, I), lambda c, m: (m[c], 0, 0)),
        ],
        out_specs=pl.BlockSpec((BCH, D), lambda c, m: (c, 0)),
    )
    return pl.pallas_call(
        _k5_body,
        grid_spec=grid_spec,
        out_shape=jax.ShapeDtypeStruct((NPAD, D), jnp.float32),
    )(cmap, buf, ws, w2s)



def _k6_body(h_ref, y1_ref, y2_ref, w1_ref, w2_ref, out_ref):
    out_ref[...] = (h_ref[...] + w1_ref[...] * y1_ref[...]
                    + w2_ref[...] * y2_ref[...])


def _run_k6(h, y1, y2, w1n, w2n):
    grid = (T // BT1,)
    return pl.pallas_call(
        _k6_body,
        grid=grid,
        in_specs=[
            pl.BlockSpec((BT1, D), lambda i: (i, 0)),
            pl.BlockSpec((BT1, D), lambda i: (i, 0)),
            pl.BlockSpec((BT1, D), lambda i: (i, 0)),
            pl.BlockSpec((BT1, 1), lambda i: (i, 0)),
            pl.BlockSpec((BT1, 1), lambda i: (i, 0)),
        ],
        out_specs=pl.BlockSpec((BT1, D), lambda i: (i, 0)),
        out_shape=jax.ShapeDtypeStruct((T, D), jnp.float32),
    )(h, y1, y2, w1n, w2n)



def kernel(position_ids, hidden_states, norm1_w, norm1_b, norm2_w, norm2_b,
           Wqkv, Wout, Wrouter, ws, w2s):
    inv = 1.0 / (THETA ** (jnp.arange(HALF, dtype=jnp.float32) / HALF))
    ang = position_ids.astype(jnp.float32)[:, None] * inv[None, :]
    cos = jnp.cos(ang)
    sin = jnp.sin(ang)

    q, k, v = _run_k1(hidden_states, norm1_w, norm1_b, Wqkv, cos, sin)
    attn = _run_k2(q, k, v)
    (h, x2, e1f, e2f, r1f, r2f, w1n, w2n, cntf) = _run_k3(
        attn, Wout, hidden_states, norm2_w, norm2_b, Wrouter)

    cnt = cntf[0].astype(jnp.int32)
    padded = ((cnt + BCH - 1) // BCH) * BCH
    off = jnp.concatenate(
        [jnp.zeros((1,), jnp.int32), jnp.cumsum(padded)[:-1].astype(jnp.int32)])
    chunk_ids = jnp.arange(NCH, dtype=jnp.int32) * BCH
    cmap = (jnp.sum((chunk_ids[:, None] >= off[None, :]).astype(jnp.int32),
                    axis=1) - 1).astype(jnp.int32)
    used = (jnp.sum(padded) // BCH).astype(jnp.int32)
    cmap = jnp.concatenate([cmap, used[None]])

    e1 = e1f[:, 0].astype(jnp.int32)
    e2 = e2f[:, 0].astype(jnp.int32)
    slot1 = jnp.take(off, e1) + r1f[:, 0].astype(jnp.int32)
    slot2 = jnp.take(off, e2) + r2f[:, 0].astype(jnp.int32)
    scidx = jnp.stack(
        [slot1.reshape(NW, TPW), slot2.reshape(NW, TPW)], axis=1)

    sc_dispatch, sc_combine_gather = _sc_kernels()
    buf = sc_dispatch(x2, scidx)
    y = _run_k5(cmap, buf, ws, w2s)
    yg = sc_combine_gather(y, scidx)
    return _run_k6(h, yg[:T], yg[T:], w1n, w2n)

# --- scband reference (transcript-rebuilt; emitter-appended) ---
"""Pipeline reference for scband-dbrx-block-35957466202273 (READ-ONLY COPY).

The authoritative reference and input builder live on the scoring server;
editing this copy changes nothing except your own understanding.
"""

import jax, jax.numpy as jnp
import numpy as np

T = 2048; D = 768; H = 12; KVH = 4; HD = 64; E = 8; K = 2; I = 1536
THETA = 10000.0; CLIP = 8.0


def setup_inputs(seed: int = 0) -> dict:
    key = jax.random.key(seed)
    ks = jax.random.split(key, 8)
    s = 0.02
    return {
        "position_ids": jnp.arange(T, dtype=jnp.int32),
        "hidden_states": jax.random.normal(ks[0], (T, D), jnp.float32),
        "norm1_w": jnp.ones((D,), jnp.float32),
        "norm1_b": jnp.zeros((D,), jnp.float32),
        "norm2_w": jnp.ones((D,), jnp.float32),
        "norm2_b": jnp.zeros((D,), jnp.float32),
        "Wqkv": jax.random.normal(ks[1], (H * HD + 2 * KVH * HD, D), jnp.float32) * s,
        "Wout": jax.random.normal(ks[2], (D, D), jnp.float32) * s,
        "Wrouter": jax.random.normal(ks[3], (E, D), jnp.float32) * s,
        "ws": jax.random.normal(ks[4], (E, 2 * I, D), jnp.float32) * s,
        "w2s": jax.random.normal(ks[5], (E, D, I), jnp.float32) * s,
    }


def _ln(x, w, b):
    mu = jnp.mean(x, axis=-1, keepdims=True)
    var = jnp.mean((x - mu) ** 2, axis=-1, keepdims=True)
    return (x - mu) / jnp.sqrt(var + 1e-5) * w + b


def _rope(x, pos):
    half = HD // 2
    inv = 1.0 / (THETA ** (jnp.arange(half, dtype=jnp.float32) / half))
    ang = pos.astype(jnp.float32)[:, None] * inv[None, :]
    cos = jnp.cos(ang)[:, None, :]
    sin = jnp.sin(ang)[:, None, :]
    x1 = x[..., :half]
    x2 = x[..., half:]
    return jnp.concatenate([x1 * cos - x2 * sin, x1 * sin + x2 * cos], axis=-1)


def _forward(position_ids, hidden_states, norm1_w, norm1_b, norm2_w, norm2_b, Wqkv, Wout, Wrouter, ws, w2s):
    # DbrxFusedNormAttention
    residual = hidden_states
    x = _ln(hidden_states, norm1_w, norm1_b)
    qkv = jnp.clip(x @ Wqkv.T, -CLIP, CLIP)
    q = qkv[:, : H * HD].reshape(T, H, HD)
    k = qkv[:, H * HD : H * HD + KVH * HD].reshape(T, KVH, HD)
    v = qkv[:, H * HD + KVH * HD :].reshape(T, KVH, HD)
    q = _rope(q, position_ids)
    k = _rope(k, position_ids)
    rep = H // KVH
    kr = jnp.repeat(k, rep, axis=1)
    vr = jnp.repeat(v, rep, axis=1)
    scores = jnp.einsum('thd,shd->hts', q, kr) * (HD ** -0.5)
    causal = jnp.tril(jnp.ones((T, T), dtype=bool))
    scores = jnp.where(causal[None, :, :], scores, -1e30)
    probs = jax.nn.softmax(scores, axis=-1)
    attn = jnp.einsum('hts,shd->thd', probs, vr).reshape(T, H * HD)
    h = residual + attn @ Wout.T
    residual2 = h
    x2 = _ln(h, norm2_w, norm2_b)
    # DbrxRouter + fused_moe (renormalize=True)
    logits = x2 @ Wrouter.T
    w_all = jax.nn.softmax(logits, axis=-1)
    topw, topi = jax.lax.top_k(w_all, K)
    topw = topw / jnp.sum(topw, axis=-1, keepdims=True)
    combine = jnp.sum(jax.nn.one_hot(topi, E, dtype=x2.dtype) * topw[..., None], axis=1)
    out = jnp.zeros((T, D), dtype=x2.dtype)
    for e in range(E):
        w1 = ws[e, :I, :]
        v1 = ws[e, I:, :]
        act = jax.nn.silu(x2 @ w1.T) * (x2 @ v1.T)
        out = out + combine[:, e:e + 1] * (act @ w2s[e].T)
    return out + residual2


def reference(position_ids, hidden_states, norm1_w, norm1_b, norm2_w, norm2_b, Wqkv, Wout, Wrouter, ws, w2s):
    return _forward(position_ids, hidden_states, norm1_w, norm1_b, norm2_w, norm2_b, Wqkv, Wout, Wrouter, ws, w2s)

if __name__ == "__main__":
    import jax
    _d = setup_inputs()
    print(jax.jit(kernel)(*tuple(_d.values())))

</pallas_src>

<mosaic_0001>
#map = affine_map<(d0, d1) -> (0, 0)>
#map1 = affine_map<(d0, d1) -> (0, 0, 0)>
module attributes {stable_mosaic.version = 14 : i64} {
  func.func @sc_combine_gather(%arg0: i32, %arg1: i32, %arg2: memref<6144x768xf32, #tpu.memory_space<hbm>>, %arg3: memref<32x2x64xi32, #tpu.memory_space<hbm>>, %arg4: memref<4096x768xf32, #tpu.memory_space<hbm>>, %arg5: memref<2x64xi32, #tpu.memory_space<vmem>>, %arg6: memref<64x768xf32, #tpu.memory_space<vmem>>, %arg7: memref<64x768xf32, #tpu.memory_space<vmem>>, %arg8: memref<!tpu.dma_semaphore, #tpu.memory_space<semaphore_mem>>) attributes {dimension_semantics = [#tpu.dimension_semantics<core_parallel>, #tpu.dimension_semantics<subcore_parallel>], iteration_bounds = array<i64: 2, 16>, scalar_prefetch = 0 : i64, scratch_operands = 4 : i64, tpu.core_type = #tpu.core_type<sc_vector_subcore>, window_params = [{transform_indices = #map}, {transform_indices = #map1}, {transform_indices = #map}]} {
    %mul3A = arith.constant 2 : i32
    %mul3A_0 = arith.muli %arg1, %mul3A : i32
    %add3A = arith.addi %mul3A_0, %arg0 : i32
    "tpu.region"() ({
      %run_scoped3A = tpu.sem_alloc : memref<!tpu.dma_semaphore, #tpu.memory_space<semaphore_mem>>
      %dma_start3A_33 = arith.constant 0 : i32
      %dma_start3A_34 = arith.constant 0 : i32
      %dma_start3A_35 = tpu.memref_slice %arg3[%add3A, %dma_start3A_33, %dma_start3A_34] : memref<32x2x64xi32, #tpu.memory_space<hbm>> -> memref<1x2x64xi32, #tpu.memory_space<hbm>>
      %dma_start3A_36 = tpu.memref_squeeze %dma_start3A_35 : memref<1x2x64xi32, #tpu.memory_space<hbm>> -> memref<2x64xi32, #tpu.memory_space<hbm>>
      %dma_start3A_37 = arith.constant 0 : i32
      %dma_start3A_38 = arith.constant 0 : i32
      %dma_start3A_39 = tpu.memref_slice %arg3[%add3A, %dma_start3A_37, %dma_start3A_38] : memref<32x2x64xi32, #tpu.memory_space<hbm>> -> memref<1x2x64xi32, #tpu.memory_space<hbm>>
      %dma_start3A_40 = tpu.memref_squeeze %dma_start3A_39 : memref<1x2x64xi32, #tpu.memory_space<hbm>> -> memref<2x64xi32, #tpu.memory_space<hbm>>
      tpu.enqueue_dma source(%dma_start3A_40 : memref<2x64xi32, #tpu.memory_space<hbm>>) target(%arg5 : memref<2x64xi32, #tpu.memory_space<vmem>>) target_semaphore(%run_scoped3A : memref<!tpu.dma_semaphore, #tpu.memory_space<semaphore_mem>>)
      %dma_wait3A_41 = arith.constant 0 : i32
      %dma_wait3A_42 = arith.constant 0 : i32
      %dma_wait3A_43 = tpu.memref_slice %arg3[%add3A, %dma_wait3A_41, %dma_wait3A_42] : memref<32x2x64xi32, #tpu.memory_space<hbm>> -> memref<1x2x64xi32, #tpu.memory_space<hbm>>
      %dma_wait3A_44 = tpu.memref_squeeze %dma_wait3A_43 : memref<1x2x64xi32, #tpu.memory_space<hbm>> -> memref<2x64xi32, #tpu.memory_space<hbm>>
      %dma_wait3A_45 = arith.constant 0 : i32
      %dma_wait3A_46 = arith.constant 0 : i32
      %dma_wait3A_47 = tpu.memref_slice %arg3[%add3A, %dma_wait3A_45, %dma_wait3A_46] : memref<32x2x64xi32, #tpu.memory_space<hbm>> -> memref<1x2x64xi32, #tpu.memory_space<hbm>>
      %dma_wait3A_48 = tpu.memref_squeeze %dma_wait3A_47 : memref<1x2x64xi32, #tpu.memory_space<hbm>> -> memref<2x64xi32, #tpu.memory_space<hbm>>
      tpu.wait_dma2 semaphore(%run_scoped3A : memref<!tpu.dma_semaphore, #tpu.memory_space<semaphore_mem>>) src(%dma_wait3A_48 : memref<2x64xi32, #tpu.memory_space<hbm>>) dst(%arg5 : memref<2x64xi32, #tpu.memory_space<vmem>>)
      tpu.yield
    }) : () -> ()
    %dma_start3A = arith.constant 0 : i32
    %dma_start3A_1 = arith.constant 0 : i32
    %dma_start3A_2 = tpu.memref_slice %arg5[%dma_start3A, %dma_start3A_1] : memref<2x64xi32, #tpu.memory_space<vmem>> -> memref<1x64xi32, #tpu.memory_space<vmem>>
    %dma_start3A_3 = tpu.memref_squeeze %dma_start3A_2 : memref<1x64xi32, #tpu.memory_space<vmem>> -> memref<64xi32, #tpu.memory_space<vmem>>
    %dma_start3A_4 = arith.constant 0 : i32
    %dma_start3A_5 = arith.constant 0 : i32
    %dma_start3A_6 = tpu.memref_slice %arg2[%dma_start3A_4, %dma_start3A_5] : memref<6144x768xf32, #tpu.memory_space<hbm>> -> memref<6144x768xf32, #tpu.memory_space<hbm>>
    tpu.enqueue_indirect_dma source(%dma_start3A_6 : memref<6144x768xf32, #tpu.memory_space<hbm>>) target(%arg6 : memref<64x768xf32, #tpu.memory_space<vmem>>) offsets(%dma_start3A_3 : memref<64xi32, #tpu.memory_space<vmem>>) semaphore(%arg8 : memref<!tpu.dma_semaphore, #tpu.memory_space<semaphore_mem>>)
    %dma_start3A_7 = arith.constant 1 : i32
    %dma_start3A_8 = arith.constant 0 : i32
    %dma_start3A_9 = tpu.memref_slice %arg5[%dma_start3A_7, %dma_start3A_8] : memref<2x64xi32, #tpu.memory_space<vmem>> -> memref<1x64xi32, #tpu.memory_space<vmem>>
    %dma_start3A_10 = tpu.memref_squeeze %dma_start3A_9 : memref<1x64xi32, #tpu.memory_space<vmem>> -> memref<64xi32, #tpu.memory_space<vmem>>
    %dma_start3A_11 = arith.constant 0 : i32
    %dma_start3A_12 = arith.constant 0 : i32
    %dma_start3A_13 = tpu.memref_slice %arg2[%dma_start3A_11, %dma_start3A_12] : memref<6144x768xf32, #tpu.memory_space<hbm>> -> memref<6144x768xf32, #tpu.memory_space<hbm>>
    tpu.enqueue_indirect_dma source(%dma_start3A_13 : memref<6144x768xf32, #tpu.memory_space<hbm>>) target(%arg7 : memref<64x768xf32, #tpu.memory_space<vmem>>) offsets(%dma_start3A_10 : memref<64xi32, #tpu.memory_space<vmem>>) semaphore(%arg8 : memref<!tpu.dma_semaphore, #tpu.memory_space<semaphore_mem>>)
    %dma_wait3A = arith.constant 0 : i32
    %dma_wait3A_14 = arith.constant 0 : i32
    %dma_wait3A_15 = tpu.memref_slice %arg5[%dma_wait3A, %dma_wait3A_14] : memref<2x64xi32, #tpu.memory_space<vmem>> -> memref<1x64xi32, #tpu.memory_space<vmem>>
    %dma_wait3A_16 = tpu.memref_squeeze %dma_wait3A_15 : memref<1x64xi32, #tpu.memory_space<vmem>> -> memref<64xi32, #tpu.memory_space<vmem>>
    %dma_wait3A_17 = arith.constant 0 : i32
    %dma_wait3A_18 = arith.constant 0 : i32
    %dma_wait3A_19 = tpu.memref_slice %arg2[%dma_wait3A_17, %dma_wait3A_18] : memref<6144x768xf32, #tpu.memory_space<hbm>> -> memref<6144x768xf32, #tpu.memory_space<hbm>>
    tpu.wait_indirect_dma semaphore(%arg8 : memref<!tpu.dma_semaphore, #tpu.memory_space<semaphore_mem>>) src(%dma_wait3A_19 : memref<6144x768xf32, #tpu.memory_space<hbm>>) dst(%arg6 : memref<64x768xf32, #tpu.memory_space<vmem>>)
    %dma_wait3A_20 = arith.constant 1 : i32
    %dma_wait3A_21 = arith.constant 0 : i32
    %dma_wait3A_22 = tpu.memref_slice %arg5[%dma_wait3A_20, %dma_wait3A_21] : memref<2x64xi32, #tpu.memory_space<vmem>> -> memref<1x64xi32, #tpu.memory_space<vmem>>
    %dma_wait3A_23 = tpu.memref_squeeze %dma_wait3A_22 : memref<1x64xi32, #tpu.memory_space<vmem>> -> memref<64xi32, #tpu.memory_space<vmem>>
    %dma_wait3A_24 = arith.constant 0 : i32
    %dma_wait3A_25 = arith.constant 0 : i32
    %dma_wait3A_26 = tpu.memref_slice %arg2[%dma_wait3A_24, %dma_wait3A_25] : memref<6144x768xf32, #tpu.memory_space<hbm>> -> memref<6144x768xf32, #tpu.memory_space<hbm>>
    tpu.wait_indirect_dma semaphore(%arg8 : memref<!tpu.dma_semaphore, #tpu.memory_space<semaphore_mem>>) src(%dma_wait3A_26 : memref<6144x768xf32, #tpu.memory_space<hbm>>) dst(%arg7 : memref<64x768xf32, #tpu.memory_space<vmem>>)
    %mul3A_27 = arith.constant 64 : i32
    %mul3A_28 = arith.muli %add3A, %mul3A_27 : i32
    "tpu.region"() ({
      %run_scoped3A = tpu.sem_alloc : memref<!tpu.dma_semaphore, #tpu.memory_space<semaphore_mem>>
      %dma_start3A_33 = arith.constant 0 : i32
      %dma_start3A_34 = tpu.memref_slice %arg4[%mul3A_28, %dma_start3A_33] : memref<4096x768xf32, #tpu.memory_space<hbm>> -> memref<64x768xf32, #tpu.memory_space<hbm>>
      %dma_start3A_35 = arith.constant 0 : i32
      %dma_start3A_36 = tpu.memref_slice %arg4[%mul3A_28, %dma_start3A_35] : memref<4096x768xf32, #tpu.memory_space<hbm>> -> memref<64x768xf32, #tpu.memory_space<hbm>>
      tpu.enqueue_dma source(%arg6 : memref<64x768xf32, #tpu.memory_space<vmem>>) target(%dma_start3A_36 : memref<64x768xf32, #tpu.memory_space<hbm>>) target_semaphore(%run_scoped3A : memref<!tpu.dma_semaphore, #tpu.memory_space<semaphore_mem>>)
      %dma_wait3A_37 = arith.constant 0 : i32
      %dma_wait3A_38 = tpu.memref_slice %arg4[%mul3A_28, %dma_wait3A_37] : memref<4096x768xf32, #tpu.memory_space<hbm>> -> memref<64x768xf32, #tpu.memory_space<hbm>>
      %dma_wait3A_39 = arith.constant 0 : i32
      %dma_wait3A_40 = tpu.memref_slice %arg4[%mul3A_28, %dma_wait3A_39] : memref<4096x768xf32, #tpu.memory_space<hbm>> -> memref<64x768xf32, #tpu.memory_space<hbm>>
      tpu.wait_dma2 semaphore(%run_scoped3A : memref<!tpu.dma_semaphore, #tpu.memory_space<semaphore_mem>>) src(%arg6 : memref<64x768xf32, #tpu.memory_space<vmem>>) dst(%dma_wait3A_40 : memref<64x768xf32, #tpu.memory_space<hbm>>)
      tpu.yield
    }) : () -> ()
    %mul3A_29 = arith.constant 64 : i32
    %mul3A_30 = arith.muli %add3A, %mul3A_29 : i32
    %add3A_31 = arith.constant 2048 : i32
    %add3A_32 = arith.addi %add3A_31, %mul3A_30 : i32
    "tpu.region"() ({
      %run_scoped3A = tpu.sem_alloc : memref<!tpu.dma_semaphore, #tpu.memory_space<semaphore_mem>>
      %dma_start3A_33 = arith.constant 0 : i32
      %dma_start3A_34 = tpu.memref_slice %arg4[%add3A_32, %dma_start3A_33] : memref<4096x768xf32, #tpu.memory_space<hbm>> -> memref<64x768xf32, #tpu.memory_space<hbm>>
      %dma_start3A_35 = arith.constant 0 : i32
      %dma_start3A_36 = tpu.memref_slice %arg4[%add3A_32, %dma_start3A_35] : memref<4096x768xf32, #tpu.memory_space<hbm>> -> memref<64x768xf32, #tpu.memory_space<hbm>>
      tpu.enqueue_dma source(%arg7 : memref<64x768xf32, #tpu.memory_space<vmem>>) target(%dma_start3A_36 : memref<64x768xf32, #tpu.memory_space<hbm>>) target_semaphore(%run_scoped3A : memref<!tpu.dma_semaphore, #tpu.memory_space<semaphore_mem>>)
      %dma_wait3A_37 = arith.constant 0 : i32
      %dma_wait3A_38 = tpu.memref_slice %arg4[%add3A_32, %dma_wait3A_37] : memref<4096x768xf32, #tpu.memory_space<hbm>> -> memref<64x768xf32, #tpu.memory_space<hbm>>
      %dma_wait3A_39 = arith.constant 0 : i32
      %dma_wait3A_40 = tpu.memref_slice %arg4[%add3A_32, %dma_wait3A_39] : memref<4096x768xf32, #tpu.memory_space<hbm>> -> memref<64x768xf32, #tpu.memory_space<hbm>>
      tpu.wait_dma2 semaphore(%run_scoped3A : memref<!tpu.dma_semaphore, #tpu.memory_space<semaphore_mem>>) src(%arg7 : memref<64x768xf32, #tpu.memory_space<vmem>>) dst(%dma_wait3A_40 : memref<64x768xf32, #tpu.memory_space<hbm>>)
      tpu.yield
    }) : () -> ()
    return
  }
}

#map = affine_map<(d0, d1) -> (0, 0)>
#map1 = affine_map<(d0, d1) -> (0, 0, 0)>
module attributes {stable_mosaic.version = 14 : i64} {
  func.func @sc_dispatch(%arg0: i32, %arg1: i32, %arg2: memref<2048x768xf32, #tpu.memory_space<hbm>>, %arg3: memref<32x2x64xi32, #tpu.memory_space<hbm>>, %arg4: memref<6144x768xf32, #tpu.memory_space<hbm>>, %arg5: memref<2x64xi32, #tpu.memory_space<vmem>>, %arg6: memref<64x768xf32, #tpu.memory_space<vmem>>, %arg7: memref<!tpu.dma_semaphore, #tpu.memory_space<semaphore_mem>>) attributes {dimension_semantics = [#tpu.dimension_semantics<core_parallel>, #tpu.dimension_semantics<subcore_parallel>], iteration_bounds = array<i64: 2, 16>, scalar_prefetch = 0 : i64, scratch_operands = 3 : i64, tpu.core_type = #tpu.core_type<sc_vector_subcore>, window_params = [{transform_indices = #map}, {transform_indices = #map1}, {transform_indices = #map}]} {
    %mul3A = arith.constant 2 : i32
    %mul3A_0 = arith.muli %arg1, %mul3A : i32
    %add3A = arith.addi %mul3A_0, %arg0 : i32
    "tpu.region"() ({
      %run_scoped3A = tpu.sem_alloc : memref<!tpu.dma_semaphore, #tpu.memory_space<semaphore_mem>>
      %dma_start3A_29 = arith.constant 0 : i32
      %dma_start3A_30 = arith.constant 0 : i32
      %dma_start3A_31 = tpu.memref_slice %arg3[%add3A, %dma_start3A_29, %dma_start3A_30] : memref<32x2x64xi32, #tpu.memory_space<hbm>> -> memref<1x2x64xi32, #tpu.memory_space<hbm>>
      %dma_start3A_32 = tpu.memref_squeeze %dma_start3A_31 : memref<1x2x64xi32, #tpu.memory_space<hbm>> -> memref<2x64xi32, #tpu.memory_space<hbm>>
      %dma_start3A_33 = arith.constant 0 : i32
      %dma_start3A_34 = arith.constant 0 : i32
      %dma_start3A_35 = tpu.memref_slice %arg3[%add3A, %dma_start3A_33, %dma_start3A_34] : memref<32x2x64xi32, #tpu.memory_space<hbm>> -> memref<1x2x64xi32, #tpu.memory_space<hbm>>
      %dma_start3A_36 = tpu.memref_squeeze %dma_start3A_35 : memref<1x2x64xi32, #tpu.memory_space<hbm>> -> memref<2x64xi32, #tpu.memory_space<hbm>>
      tpu.enqueue_dma source(%dma_start3A_36 : memref<2x64xi32, #tpu.memory_space<hbm>>) target(%arg5 : memref<2x64xi32, #tpu.memory_space<vmem>>) target_semaphore(%run_scoped3A : memref<!tpu.dma_semaphore, #tpu.memory_space<semaphore_mem>>)
      %dma_wait3A_37 = arith.constant 0 : i32
      %dma_wait3A_38 = arith.constant 0 : i32
      %dma_wait3A_39 = tpu.memref_slice %arg3[%add3A, %dma_wait3A_37, %dma_wait3A_38] : memref<32x2x64xi32, #tpu.memory_space<hbm>> -> memref<1x2x64xi32, #tpu.memory_space<hbm>>
      %dma_wait3A_40 = tpu.memref_squeeze %dma_wait3A_39 : memref<1x2x64xi32, #tpu.memory_space<hbm>> -> memref<2x64xi32, #tpu.memory_space<hbm>>
      %dma_wait3A_41 = arith.constant 0 : i32
      %dma_wait3A_42 = arith.constant 0 : i32
      %dma_wait3A_43 = tpu.memref_slice %arg3[%add3A, %dma_wait3A_41, %dma_wait3A_42] : memref<32x2x64xi32, #tpu.memory_space<hbm>> -> memref<1x2x64xi32, #tpu.memory_space<hbm>>
      %dma_wait3A_44 = tpu.memref_squeeze %dma_wait3A_43 : memref<1x2x64xi32, #tpu.memory_space<hbm>> -> memref<2x64xi32, #tpu.memory_space<hbm>>
      tpu.wait_dma2 semaphore(%run_scoped3A : memref<!tpu.dma_semaphore, #tpu.memory_space<semaphore_mem>>) src(%dma_wait3A_44 : memref<2x64xi32, #tpu.memory_space<hbm>>) dst(%arg5 : memref<2x64xi32, #tpu.memory_space<vmem>>)
      tpu.yield
    }) : () -> ()
    %mul3A_1 = arith.constant 64 : i32
    %mul3A_2 = arith.muli %add3A, %mul3A_1 : i32
    "tpu.region"() ({
      %run_scoped3A = tpu.sem_alloc : memref<!tpu.dma_semaphore, #tpu.memory_space<semaphore_mem>>
      %dma_start3A_29 = arith.constant 0 : i32
      %dma_start3A_30 = tpu.memref_slice %arg2[%mul3A_2, %dma_start3A_29] : memref<2048x768xf32, #tpu.memory_space<hbm>> -> memref<64x768xf32, #tpu.memory_space<hbm>>
      %dma_start3A_31 = arith.constant 0 : i32
      %dma_start3A_32 = tpu.memref_slice %arg2[%mul3A_2, %dma_start3A_31] : memref<2048x768xf32, #tpu.memory_space<hbm>> -> memref<64x768xf32, #tpu.memory_space<hbm>>
      tpu.enqueue_dma source(%dma_start3A_32 : memref<64x768xf32, #tpu.memory_space<hbm>>) target(%arg6 : memref<64x768xf32, #tpu.memory_space<vmem>>) target_semaphore(%run_scoped3A : memref<!tpu.dma_semaphore, #tpu.memory_space<semaphore_mem>>)
      %dma_wait3A_33 = arith.constant 0 : i32
      %dma_wait3A_34 = tpu.memref_slice %arg2[%mul3A_2, %dma_wait3A_33] : memref<2048x768xf32, #tpu.memory_space<hbm>> -> memref<64x768xf32, #tpu.memory_space<hbm>>
      %dma_wait3A_35 = arith.constant 0 : i32
      %dma_wait3A_36 = tpu.memref_slice %arg2[%mul3A_2, %dma_wait3A_35] : memref<2048x768xf32, #tpu.memory_space<hbm>> -> memref<64x768xf32, #tpu.memory_space<hbm>>
      tpu.wait_dma2 semaphore(%run_scoped3A : memref<!tpu.dma_semaphore, #tpu.memory_space<semaphore_mem>>) src(%dma_wait3A_36 : memref<64x768xf32, #tpu.memory_space<hbm>>) dst(%arg6 : memref<64x768xf32, #tpu.memory_space<vmem>>)
      tpu.yield
    }) : () -> ()
    %dma_start3A = arith.constant 0 : i32
    %dma_start3A_3 = arith.constant 0 : i32
    %dma_start3A_4 = tpu.memref_slice %arg5[%dma_start3A, %dma_start3A_3] : memref<2x64xi32, #tpu.memory_space<vmem>> -> memref<1x64xi32, #tpu.memory_space<vmem>>
    %dma_start3A_5 = tpu.memref_squeeze %dma_start3A_4 : memref<1x64xi32, #tpu.memory_space<vmem>> -> memref<64xi32, #tpu.memory_space<vmem>>
    %dma_start3A_6 = arith.constant 0 : i32
    %dma_start3A_7 = arith.constant 0 : i32
    %dma_start3A_8 = tpu.memref_slice %arg4[%dma_start3A_6, %dma_start3A_7] : memref<6144x768xf32, #tpu.memory_space<hbm>> -> memref<6144x768xf32, #tpu.memory_space<hbm>>
    tpu.enqueue_indirect_dma source(%arg6 : memref<64x768xf32, #tpu.memory_space<vmem>>) target(%dma_start3A_8 : memref<6144x768xf32, #tpu.memory_space<hbm>>) offsets(%dma_start3A_5 : memref<64xi32, #tpu.memory_space<vmem>>) semaphore(%arg7 : memref<!tpu.dma_semaphore, #tpu.memory_space<semaphore_mem>>)
    %dma_start3A_9 = arith.constant 1 : i32
    %dma_start3A_10 = arith.constant 0 : i32
    %dma_start3A_11 = tpu.memref_slice %arg5[%dma_start3A_9, %dma_start3A_10] : memref<2x64xi32, #tpu.memory_space<vmem>> -> memref<1x64xi32, #tpu.memory_space<vmem>>
    %dma_start3A_12 = tpu.memref_squeeze %dma_start3A_11 : memref<1x64xi32, #tpu.memory_space<vmem>> -> memref<64xi32, #tpu.memory_space<vmem>>
    %dma_start3A_13 = arith.constant 0 : i32
    %dma_start3A_14 = arith.constant 0 : i32
    %dma_start3A_15 = tpu.memref_slice %arg4[%dma_start3A_13, %dma_start3A_14] : memref<6144x768xf32, #tpu.memory_space<hbm>> -> memref<6144x768xf32, #tpu.memory_space<hbm>>
    tpu.enqueue_indirect_dma source(%arg6 : memref<64x768xf32, #tpu.memory_space<vmem>>) target(%dma_start3A_15 : memref<6144x768xf32, #tpu.memory_space<hbm>>) offsets(%dma_start3A_12 : memref<64xi32, #tpu.memory_space<vmem>>) semaphore(%arg7 : memref<!tpu.dma_semaphore, #tpu.memory_space<semaphore_mem>>)
    %dma_wait3A = arith.constant 0 : i32
    %dma_wait3A_16 = arith.constant 0 : i32
    %dma_wait3A_17 = tpu.memref_slice %arg5[%dma_wait3A, %dma_wait3A_16] : memref<2x64xi32, #tpu.memory_space<vmem>> -> memref<1x64xi32, #tpu.memory_space<vmem>>
    %dma_wait3A_18 = tpu.memref_squeeze %dma_wait3A_17 : memref<1x64xi32, #tpu.memory_space<vmem>> -> memref<64xi32, #tpu.memory_space<vmem>>
    %dma_wait3A_19 = arith.constant 0 : i32
    %dma_wait3A_20 = arith.constant 0 : i32
    %dma_wait3A_21 = tpu.memref_slice %arg4[%dma_wait3A_19, %dma_wait3A_20] : memref<6144x768xf32, #tpu.memory_space<hbm>> -> memref<6144x768xf32, #tpu.memory_space<hbm>>
    tpu.wait_indirect_dma semaphore(%arg7 : memref<!tpu.dma_semaphore, #tpu.memory_space<semaphore_mem>>) src(%arg6 : memref<64x768xf32, #tpu.memory_space<vmem>>) dst(%dma_wait3A_21 : memref<6144x768xf32, #tpu.memory_space<hbm>>)
    %dma_wait3A_22 = arith.constant 1 : i32
    %dma_wait3A_23 = arith.constant 0 : i32
    %dma_wait3A_24 = tpu.memref_slice %arg5[%dma_wait3A_22, %dma_wait3A_23] : memref<2x64xi32, #tpu.memory_space<vmem>> -> memref<1x64xi32, #tpu.memory_space<vmem>>
    %dma_wait3A_25 = tpu.memref_squeeze %dma_wait3A_24 : memref<1x64xi32, #tpu.memory_space<vmem>> -> memref<64xi32, #tpu.memory_space<vmem>>
    %dma_wait3A_26 = arith.constant 0 : i32
    %dma_wait3A_27 = arith.constant 0 : i32
    %dma_wait3A_28 = tpu.memref_slice %arg4[%dma_wait3A_26, %dma_wait3A_27] : memref<6144x768xf32, #tpu.memory_space<hbm>> -> memref<6144x768xf32, #tpu.memory_space<hbm>>
    tpu.wait_indirect_dma semaphore(%arg7 : memref<!tpu.dma_semaphore, #tpu.memory_space<semaphore_mem>>) src(%arg6 : memref<64x768xf32, #tpu.memory_space<vmem>>) dst(%dma_wait3A_28 : memref<6144x768xf32, #tpu.memory_space<hbm>>)
    return
  }
}

module attributes {stable_mosaic.version = 14 : i64} {
  func.func @_k3_body(%arg0: i32, %arg1: memref<12x256x64xf32, #tpu.memory_space<vmem>>, %arg2: memref<768x768xf32, #tpu.memory_space<vmem>>, %arg3: memref<256x768xf32, #tpu.memory_space<vmem>>, %arg4: memref<768xf32, #tpu.memory_space<vmem>>, %arg5: memref<768xf32, #tpu.memory_space<vmem>>, %arg6: memref<8x768xf32, #tpu.memory_space<vmem>>, %arg7: memref<256x768xf32, #tpu.memory_space<vmem>>, %arg8: memref<256x768xf32, #tpu.memory_space<vmem>>, %arg9: memref<256x1xf32, #tpu.memory_space<vmem>>, %arg10: memref<256x1xf32, #tpu.memory_space<vmem>>, %arg11: memref<256x1xf32, #tpu.memory_space<vmem>>, %arg12: memref<256x1xf32, #tpu.memory_space<vmem>>, %arg13: memref<256x1xf32, #tpu.memory_space<vmem>>, %arg14: memref<256x1xf32, #tpu.memory_space<vmem>>, %arg15: memref<1x8xf32, #tpu.memory_space<vmem>>, %arg16: memref<1x8xf32, #tpu.memory_space<vmem>>) attributes {dimension_semantics = [#tpu.dimension_semantics<arbitrary>], iteration_bounds = array<i64: 8>, scalar_prefetch = 0 : i64, scratch_operands = 1 : i64, tpu.core_type = #tpu.core_type<tc>, window_params = [{transform_indices = @transform_0, window_bounds = array<i64: 12, 256, 64>}, {pipeline_mode = #tpu.pipeline_mode<synchronous>, transform_indices = @transform_1, window_bounds = array<i64: 768, 768>}, {transform_indices = @transform_2, window_bounds = array<i64: 256, 768>}, {pipeline_mode = #tpu.pipeline_mode<synchronous>, transform_indices = @transform_3, window_bounds = array<i64: 768>}, {pipeline_mode = #tpu.pipeline_mode<synchronous>, transform_indices = @transform_4, window_bounds = array<i64: 768>}, {pipeline_mode = #tpu.pipeline_mode<synchronous>, transform_indices = @transform_5, window_bounds = array<i64: 8, 768>}, {transform_indices = @transform_6, window_bounds = array<i64: 256, 768>}, {transform_indices = @transform_7, window_bounds = array<i64: 256, 768>}, {transform_indices = @transform_8, window_bounds = array<i64: 256, 1>}, {transform_indices = @transform_9, window_bounds = array<i64: 256, 1>}, {transform_indices = @transform_10, window_bounds = array<i64: 256, 1>}, {transform_indices = @transform_11, window_bounds = array<i64: 256, 1>}, {transform_indices = @transform_12, window_bounds = array<i64: 256, 1>}, {transform_indices = @transform_13, window_bounds = array<i64: 256, 1>}, {pipeline_mode = #tpu.pipeline_mode<synchronous>, transform_indices = @transform_14, window_bounds = array<i64: 1, 8>}]} {
    %get3A = arith.constant 0 : index
    %get3A_0 = arith.constant 0 : index
    %get3A_1 = arith.constant 0 : index
    %get3A_2 = vector.load %arg1[%get3A, %get3A_0, %get3A_1] : memref<12x256x64xf32, #tpu.memory_space<vmem>>, vector<1x256x64xf32>
    %get3A_3 = vector.shape_cast %get3A_2 : vector<1x256x64xf32> to vector<256x64xf32>
    %get3A_4 = arith.constant 1 : index
    %get3A_5 = arith.constant 0 : index
    %get3A_6 = arith.constant 0 : index
    %get3A_7 = vector.load %arg1[%get3A_4, %get3A_5, %get3A_6] : memref<12x256x64xf32, #tpu.memory_space<vmem>>, vector<1x256x64xf32>
    %get3A_8 = vector.shape_cast %get3A_7 : vector<1x256x64xf32> to vector<256x64xf32>
    %get3A_9 = arith.constant 2 : index
    %get3A_10 = arith.constant 0 : index
    %get3A_11 = arith.constant 0 : index
    %get3A_12 = vector.load %arg1[%get3A_9, %get3A_10, %get3A_11] : memref<12x256x64xf32, #tpu.memory_space<vmem>>, vector<1x256x64xf32>
    %get3A_13 = vector.shape_cast %get3A_12 : vector<1x256x64xf32> to vector<256x64xf32>
    %get3A_14 = arith.constant 3 : index
    %get3A_15 = arith.constant 0 : index
    %get3A_16 = arith.constant 0 : index
    %get3A_17 = vector.load %arg1[%get3A_14, %get3A_15, %get3A_16] : memref<12x256x64xf32, #tpu.memory_space<vmem>>, vector<1x256x64xf32>
    %get3A_18 = vector.shape_cast %get3A_17 : vector<1x256x64xf32> to vector<256x64xf32>
    %get3A_19 = arith.constant 4 : index
    %get3A_20 = arith.constant 0 : index
    %get3A_21 = arith.constant 0 : index
    %get3A_22 = vector.load %arg1[%get3A_19, %get3A_20, %get3A_21] : memref<12x256x64xf32, #tpu.memory_space<vmem>>, vector<1x256x64xf32>
    %get3A_23 = vector.shape_cast %get3A_22 : vector<1x256x64xf32> to vector<256x64xf32>
    %get3A_24 = arith.constant 5 : index
    %get3A_25 = arith.constant 0 : index
    %get3A_26 = arith.constant 0 : index
    %get3A_27 = vector.load %arg1[%get3A_24, %get3A_25, %get3A_26] : memref<12x256x64xf32, #tpu.memory_space<vmem>>, vector<1x256x64xf32>
    %get3A_28 = vector.shape_cast %get3A_27 : vector<1x256x64xf32> to vector<256x64xf32>
    %get3A_29 = arith.constant 6 : index
    %get3A_30 = arith.constant 0 : index
    %get3A_31 = arith.constant 0 : index
    %get3A_32 = vector.load %arg1[%get3A_29, %get3A_30, %get3A_31] : memref<12x256x64xf32, #tpu.memory_space<vmem>>, vector<1x256x64xf32>
    %get3A_33 = vector.shape_cast %get3A_32 : vector<1x256x64xf32> to vector<256x64xf32>
    %get3A_34 = arith.constant 7 : index
    %get3A_35 = arith.constant 0 : index
    %get3A_36 = arith.constant 0 : index
    %get3A_37 = vector.load %arg1[%get3A_34, %get3A_35, %get3A_36] : memref<12x256x64xf32, #tpu.memory_space<vmem>>, vector<1x256x64xf32>
    %get3A_38 = vector.shape_cast %get3A_37 : vector<1x256x64xf32> to vector<256x64xf32>
    %get3A_39 = arith.constant 8 : index
    %get3A_40 = arith.constant 0 : index
    %get3A_41 = arith.constant 0 : index
    %get3A_42 = vector.load %arg1[%get3A_39, %get3A_40, %get3A_41] : memref<12x256x64xf32, #tpu.memory_space<vmem>>, vector<1x256x64xf32>
    %get3A_43 = vector.shape_cast %get3A_42 : vector<1x256x64xf32> to vector<256x64xf32>
    %get3A_44 = arith.constant 9 : index
    %get3A_45 = arith.constant 0 : index
    %get3A_46 = arith.constant 0 : index
    %get3A_47 = vector.load %arg1[%get3A_44, %get3A_45, %get3A_46] : memref<12x256x64xf32, #tpu.memory_space<vmem>>, vector<1x256x64xf32>
    %get3A_48 = vector.shape_cast %get3A_47 : vector<1x256x64xf32> to vector<256x64xf32>
    %get3A_49 = arith.constant 10 : index
    %get3A_50 = arith.constant 0 : index
    %get3A_51 = arith.constant 0 : index
    %get3A_52 = vector.load %arg1[%get3A_49, %get3A_50, %get3A_51] : memref<12x256x64xf32, #tpu.memory_space<vmem>>, vector<1x256x64xf32>
    %get3A_53 = vector.shape_cast %get3A_52 : vector<1x256x64xf32> to vector<256x64xf32>
    %get3A_54 = arith.constant 11 : index
    %get3A_55 = arith.constant 0 : index
    %get3A_56 = arith.constant 0 : index
    %get3A_57 = vector.load %arg1[%get3A_54, %get3A_55, %get3A_56] : memref<12x256x64xf32, #tpu.memory_space<vmem>>, vector<1x256x64xf32>
    %get3A_58 = vector.shape_cast %get3A_57 : vector<1x256x64xf32> to vector<256x64xf32>
    %concatenate3A = tpu.concatenate %get3A_3, %get3A_8, %get3A_13, %get3A_18, %get3A_23, %get3A_28, %get3A_33, %get3A_38, %get3A_43, %get3A_48, %get3A_53, %get3A_58 in 1 : vector<256x64xf32>, vector<256x64xf32>, vector<256x64xf32>, vector<256x64xf32>, vector<256x64xf32>, vector<256x64xf32>, vector<256x64xf32>, vector<256x64xf32>, vector<256x64xf32>, vector<256x64xf32>, vector<256x64xf32>, vector<256x64xf32> -> vector<256x768xf32>
    %convert_element_type3A = arith.truncf %concatenate3A : vector<256x768xf32> to vector<256x768xbf16>
    %get3A_59 = arith.constant 0 : index
    %get3A_60 = arith.constant 0 : index
    %get3A_61 = vector.load %arg3[%get3A_59, %get3A_60] : memref<256x768xf32, #tpu.memory_space<vmem>>, vector<256x768xf32>
    %get3A_62 = arith.constant 0 : index
    %get3A_63 = arith.constant 0 : index
    %get3A_64 = vector.load %arg2[%get3A_62, %get3A_63] : memref<768x768xf32, #tpu.memory_space<vmem>>, vector<768x768xf32>
    %convert_element_type3A_65 = arith.truncf %get3A_64 : vector<768x768xf32> to vector<768x768xbf16>
    %dot_general3A = arith.constant dense<0.000000e+00> : vector<256x768xf32>
    %dot_general3A_66 = tpu.matmul %convert_element_type3A, %convert_element_type3A_65, %dot_general3A {dimension_numbers = #tpu.dot_dimension_numbers<[1], [1], [0], [0], [0, 0, 1, 0], [], []>, transpose_lhs_hint = false} : vector<256x768xbf16>, vector<768x768xbf16>, vector<256x768xf32> -> vector<256x768xf32>
    %add3A = arith.addf %get3A_61, %dot_general3A_66 : vector<256x768xf32>
    %swap3A = arith.constant 0 : index
    %swap3A_67 = arith.constant 0 : index
    %swap3A_68 = vector.load %arg7[%swap3A, %swap3A_67] : memref<256x768xf32, #tpu.memory_space<vmem>>, vector<256x768xf32>
    tpu.vector_store %arg7[%swap3A, %swap3A_67], %add3A {strides = array<i32>} : memref<256x768xf32, #tpu.memory_space<vmem>>, vector<256x768xf32>,
    %reduce_sum3A = arith.constant dense<0.000000e+00> : vector<256xf32>
    %reduce_sum3A_69 = vector.multi_reduction <add>, %add3A, %reduce_sum3A [1] : vector<256x768xf32> to vector<256xf32>
    %broadcast_in_dim3A = vector.shape_cast %reduce_sum3A_69 : vector<256xf32> to vector<256x1xf32>
    %div3A = arith.constant 7.680000e+02 : f32
    %div3A_70 = vector.broadcast %div3A : f32 to vector<256x1xf32>
    %div3A_71 = arith.divf %broadcast_in_dim3A, %div3A_70 : vector<256x1xf32>
    %sub3A = vector.broadcast %div3A_71 : vector<256x1xf32> to vector<256x768xf32>
    %sub3A_72 = arith.subf %add3A, %sub3A : vector<256x768xf32>
    %integer_pow3A = arith.mulf %sub3A_72, %sub3A_72 : vector<256x768xf32>
    %reduce_sum3A_73 = arith.constant dense<0.000000e+00> : vector<256xf32>
    %reduce_sum3A_74 = vector.multi_reduction <add>, %integer_pow3A, %reduce_sum3A_73 [1] : vector<256x768xf32> to vector<256xf32>
    %broadcast_in_dim3A_75 = vector.shape_cast %reduce_sum3A_74 : vector<256xf32> to vector<256x1xf32>
    %div3A_76 = arith.constant 7.680000e+02 : f32
    %div3A_77 = vector.broadcast %div3A_76 : f32 to vector<256x1xf32>
    %div3A_78 = arith.divf %broadcast_in_dim3A_75, %div3A_77 : vector<256x1xf32>
    %sub3A_79 = vector.broadcast %div3A_71 : vector<256x1xf32> to vector<256x768xf32>
    %sub3A_80 = arith.subf %add3A, %sub3A_79 : vector<256x768xf32>
    %add3A_81 = arith.constant 9.99999974E-6 : f32
    %add3A_82 = vector.broadcast %add3A_81 : f32 to vector<256x1xf32>
    %add3A_83 = arith.addf %div3A_78, %add3A_82 : vector<256x1xf32>
    %rsqrt3A = math.rsqrt %add3A_83 : vector<256x1xf32>
    %mul3A = vector.broadcast %rsqrt3A : vector<256x1xf32> to vector<256x768xf32>
    %mul3A_84 = arith.mulf %sub3A_80, %mul3A : vector<256x768xf32>
    %get3A_85 = arith.constant 0 : index
    %get3A_86 = vector.load %arg4[%get3A_85] : memref<768xf32, #tpu.memory_space<vmem>>, vector<768xf32>
    %broadcast_in_dim3A_87 = vector.shape_cast %get3A_86 : vector<768xf32> to vector<1x768xf32>
    %mul3A_88 = vector.broadcast %broadcast_in_dim3A_87 : vector<1x768xf32> to vector<256x768xf32>
    %mul3A_89 = arith.mulf %mul3A_84, %mul3A_88 : vector<256x768xf32>
    %get3A_90 = arith.constant 0 : index
    %get3A_91 = vector.load %arg5[%get3A_90] : memref<768xf32, #tpu.memory_space<vmem>>, vector<768xf32>
    %broadcast_in_dim3A_92 = vector.shape_cast %get3A_91 : vector<768xf32> to vector<1x768xf32>
    %add3A_93 = vector.broadcast %broadcast_in_dim3A_92 : vector<1x768xf32> to vector<256x768xf32>
    %add3A_94 = arith.addf %mul3A_89, %add3A_93 : vector<256x768xf32>
    %swap3A_95 = arith.constant 0 : index
    %swap3A_96 = arith.constant 0 : index
    %swap3A_97 = vector.load %arg8[%swap3A_95, %swap3A_96] : memref<256x768xf32, #tpu.memory_space<vmem>>, vector<256x768xf32>
    tpu.vector_store %arg8[%swap3A_95, %swap3A_96], %add3A_94 {strides = array<i32>} : memref<256x768xf32, #tpu.memory_space<vmem>>, vector<256x768xf32>,
    %get3A_98 = arith.constant 0 : index
    %get3A_99 = arith.constant 0 : index
    %get3A_100 = vector.load %arg6[%get3A_98, %get3A_99] : memref<8x768xf32, #tpu.memory_space<vmem>>, vector<8x768xf32>
    %dot_general3A_101 = arith.constant dense<0.000000e+00> : vector<256x8xf32>
    %dot_general3A_102 = tpu.matmul %add3A_94, %get3A_100, %dot_general3A_101 {dimension_numbers = #tpu.dot_dimension_numbers<[1], [1], [0], [0], [0, 0, 1, 0], [], []>, transpose_lhs_hint = false} : vector<256x768xf32>, vector<8x768xf32>, vector<256x8xf32> -> vector<256x8xf32>
    %reduce_max3A = arith.constant dense<0xFF800000> : vector<256xf32>
    %reduce_max3A_103 = vector.multi_reduction <maximumf>, %dot_general3A_102, %reduce_max3A [1] : vector<256x8xf32> to vector<256xf32>
    %broadcast_in_dim3A_104 = vector.shape_cast %reduce_max3A_103 : vector<256xf32> to vector<256x1xf32>
    %sub3A_105 = vector.broadcast %broadcast_in_dim3A_104 : vector<256x1xf32> to vector<256x8xf32>
    %sub3A_106 = arith.subf %dot_general3A_102, %sub3A_105 : vector<256x8xf32>
    %exp3A = math.exp %sub3A_106 : vector<256x8xf32>
    %reduce_sum3A_107 = arith.constant dense<0.000000e+00> : vector<256xf32>
    %reduce_sum3A_108 = vector.multi_reduction <add>, %exp3A, %reduce_sum3A_107 [1] : vector<256x8xf32> to vector<256xf32>
    %broadcast_in_dim3A_109 = vector.shape_cast %reduce_sum3A_108 : vector<256xf32> to vector<256x1xf32>
    %div3A_110 = vector.broadcast %broadcast_in_dim3A_109 : vector<256x1xf32> to vector<256x8xf32>
    %div3A_111 = arith.divf %exp3A, %div3A_110 : vector<256x8xf32>
    %iota3A = tpu.iota {dimensions = array<i32: 1>} : vector<256x8xi32>
    %reduce_max3A_112 = arith.constant dense<0xFF800000> : vector<256xf32>
    %reduce_max3A_113 = vector.multi_reduction <maximumf>, %div3A_111, %reduce_max3A_112 [1] : vector<256x8xf32> to vector<256xf32>
    %broadcast_in_dim3A_114 = vector.shape_cast %reduce_max3A_113 : vector<256xf32> to vector<256x1xf32>
    %eq3A = vector.broadcast %broadcast_in_dim3A_114 : vector<256x1xf32> to vector<256x8xf32>
    %eq3A_115 = arith.cmpf oeq, %div3A_111, %eq3A : vector<256x8xf32>
    %jit3A = arith.constant 8 : i32
    %broadcast_in_dim3A_116 = vector.broadcast %jit3A : i32 to vector<256x8xi32>
    %select_n3A = arith.select %eq3A_115, %iota3A, %broadcast_in_dim3A_116 : vector<256x8xi1>, vector<256x8xi32>
    %reduce_min3A = arith.constant dense<2147483647> : vector<256xi32>
    %reduce_min3A_117 = vector.multi_reduction <minsi>, %select_n3A, %reduce_min3A [1] : vector<256x8xi32> to vector<256xi32>
    %broadcast_in_dim3A_118 = vector.shape_cast %reduce_min3A_117 : vector<256xi32> to vector<256x1xi32>
    %eq3A_119 = vector.broadcast %broadcast_in_dim3A_118 : vector<256x1xi32> to vector<256x8xi32>
    %eq3A_120 = arith.cmpi eq, %iota3A, %eq3A_119 : vector<256x8xi32>
    %jit3A_121 = arith.constant -1.000000e+00 : f32
    %broadcast_in_dim3A_122 = vector.broadcast %jit3A_121 : f32 to vector<256x8xf32>
    %select_n3A_123 = arith.select %eq3A_120, %broadcast_in_dim3A_122, %div3A_111 : vector<256x8xi1>, vector<256x8xf32>
    %reduce_max3A_124 = arith.constant dense<0xFF800000> : vector<256xf32>
    %reduce_max3A_125 = vector.multi_reduction <maximumf>, %select_n3A_123, %reduce_max3A_124 [1] : vector<256x8xf32> to vector<256xf32>
    %broadcast_in_dim3A_126 = vector.shape_cast %reduce_max3A_125 : vector<256xf32> to vector<256x1xf32>
    %eq3A_127 = vector.broadcast %broadcast_in_dim3A_126 : vector<256x1xf32> to vector<256x8xf32>
    %eq3A_128 = arith.cmpf oeq, %select_n3A_123, %eq3A_127 : vector<256x8xf32>
    %jit3A_129 = arith.constant 8 : i32
    %broadcast_in_dim3A_130 = vector.broadcast %jit3A_129 : i32 to vector<256x8xi32>
    %select_n3A_131 = arith.select %eq3A_128, %iota3A, %broadcast_in_dim3A_130 : vector<256x8xi1>, vector<256x8xi32>
    %reduce_min3A_132 = arith.constant dense<2147483647> : vector<256xi32>
    %reduce_min3A_133 = vector.multi_reduction <minsi>, %select_n3A_131, %reduce_min3A_132 [1] : vector<256x8xi32> to vector<256xi32>
    %broadcast_in_dim3A_134 = vector.shape_cast %reduce_min3A_133 : vector<256xi32> to vector<256x1xi32>
    %eq3A_135 = vector.broadcast %broadcast_in_dim3A_134 : vector<256x1xi32> to vector<256x8xi32>
    %eq3A_136 = arith.cmpi eq, %iota3A, %eq3A_135 : vector<256x8xi32>
    %add3A_137 = arith.addf %broadcast_in_dim3A_114, %broadcast_in_dim3A_126 : vector<256x1xf32>
    %div3A_138 = arith.divf %broadcast_in_dim3A_114, %add3A_137 : vector<256x1xf32>
    %swap3A_139 = arith.constant 0 : index
    %swap3A_140 = arith.constant 0 : index
    %swap3A_141 = vector.load %arg13[%swap3A_139, %swap3A_140] : memref<256x1xf32, #tpu.memory_space<vmem>>, vector<256x1xf32>
    tpu.vector_store %arg13[%swap3A_139, %swap3A_140], %div3A_138 {strides = array<i32>} : memref<256x1xf32, #tpu.memory_space<vmem>>, vector<256x1xf32>,
    %div3A_142 = arith.divf %broadcast_in_dim3A_126, %add3A_137 : vector<256x1xf32>
    %swap3A_143 = arith.constant 0 : index
    %swap3A_144 = arith.constant 0 : index
    %swap3A_145 = vector.load %arg14[%swap3A_143, %swap3A_144] : memref<256x1xf32, #tpu.memory_space<vmem>>, vector<256x1xf32>
    tpu.vector_store %arg14[%swap3A_143, %swap3A_144], %div3A_142 {strides = array<i32>} : memref<256x1xf32, #tpu.memory_space<vmem>>, vector<256x1xf32>,
    %convert_element_type3A_146 = arith.sitofp %broadcast_in_dim3A_118 : vector<256x1xi32> to vector<256x1xf32>
    %swap3A_147 = arith.constant 0 : index
    %swap3A_148 = arith.constant 0 : index
    %swap3A_149 = vector.load %arg9[%swap3A_147, %swap3A_148] : memref<256x1xf32, #tpu.memory_space<vmem>>, vector<256x1xf32>
    tpu.vector_store %arg9[%swap3A_147, %swap3A_148], %convert_element_type3A_146 {strides = array<i32>} : memref<256x1xf32, #tpu.memory_space<vmem>>, vector<256x1xf32>,
    %convert_element_type3A_150 = arith.sitofp %broadcast_in_dim3A_134 : vector<256x1xi32> to vector<256x1xf32>
    %swap3A_151 = arith.constant 0 : index
    %swap3A_152 = arith.constant 0 : index
    %swap3A_153 = vector.load %arg10[%swap3A_151, %swap3A_152] : memref<256x1xf32, #tpu.memory_space<vmem>>, vector<256x1xf32>
    tpu.vector_store %arg10[%swap3A_151, %swap3A_152], %convert_element_type3A_150 {strides = array<i32>} : memref<256x1xf32, #tpu.memory_space<vmem>>, vector<256x1xf32>,
    %convert_element_type3A_154 = arith.extui %eq3A_120 : vector<256x8xi1> to vector<256x8xi32>
    %convert_element_type3A_155 = arith.sitofp %convert_element_type3A_154 : vector<256x8xi32> to vector<256x8xf32>
    %convert_element_type3A_156 = arith.extui %eq3A_136 : vector<256x8xi1> to vector<256x8xi32>
    %convert_element_type3A_157 = arith.sitofp %convert_element_type3A_156 : vector<256x8xi32> to vector<256x8xf32>
    %add3A_158 = arith.addf %convert_element_type3A_155, %convert_element_type3A_157 : vector<256x8xf32>
    %eq3A_159 = arith.constant 0 : i32
    %eq3A_160 = arith.cmpi eq, %arg0, %eq3A_159 : i32
    %convert_element_type3A_161 = arith.extui %eq3A_160 : i1 to i32
    %cond3A = arith.constant 0 : i32
    %cond3A_162 = arith.cmpi ne, %convert_element_type3A_161, %cond3A : i32
    scf.if %cond3A_162 {
      %broadcast_in_dim3A_201 = arith.constant 0.000000e+00 : f32
      %broadcast_in_dim3A_202 = vector.broadcast %broadcast_in_dim3A_201 : f32 to vector<1x8xf32>
      %swap3A_203 = arith.constant 0 : index
      %swap3A_204 = arith.constant 0 : index
      %swap3A_205 = vector.load %arg16[%swap3A_203, %swap3A_204] : memref<1x8xf32, #tpu.memory_space<vmem>>, vector<1x8xf32>
      tpu.vector_store %arg16[%swap3A_203, %swap3A_204], %broadcast_in_dim3A_202 {strides = array<i32>} : memref<1x8xf32, #tpu.memory_space<vmem>>, vector<1x8xf32>,
    } else {
    }
    %get3A_163 = arith.constant 0 : index
    %get3A_164 = arith.constant 0 : index
    %get3A_165 = vector.load %arg16[%get3A_163, %get3A_164] : memref<1x8xf32, #tpu.memory_space<vmem>>, vector<1x8xf32>
    %iota3A_166 = tpu.iota {dimensions = array<i32: 0>} : vector<256x256xi32>
    %iota3A_167 = tpu.iota {dimensions = array<i32: 1>} : vector<256x256xi32>
    %gt3A = arith.cmpi sgt, %iota3A_166, %iota3A_167 : vector<256x256xi32>
    %convert_element_type3A_168 = arith.extui %gt3A : vector<256x256xi1> to vector<256x256xi32>
    %convert_element_type3A_169 = arith.sitofp %convert_element_type3A_168 : vector<256x256xi32> to vector<256x256xf32>
    %dot_general3A_170 = arith.constant dense<0.000000e+00> : vector<256x8xf32>
    %dot_general3A_171 = tpu.matmul %convert_element_type3A_169, %add3A_158, %dot_general3A_170 {dimension_numbers = #tpu.dot_dimension_numbers<[1], [0], [0], [1], [0, 0, 1, 1], [], []>, transpose_lhs_hint = false} : vector<256x256xf32>, vector<256x8xf32>, vector<256x8xf32> -> vector<256x8xf32>
    %add3A_172 = vector.broadcast %get3A_165 : vector<1x8xf32> to vector<256x8xf32>
    %add3A_173 = arith.addf %dot_general3A_171, %add3A_172 : vector<256x8xf32>
    %mul3A_174 = arith.mulf %convert_element_type3A_155, %add3A_173 : vector<256x8xf32>
    %reduce_sum3A_175 = arith.constant dense<0.000000e+00> : vector<256xf32>
    %reduce_sum3A_176 = vector.multi_reduction <add>, %mul3A_174, %reduce_sum3A_175 [1] : vector<256x8xf32> to vector<256xf32>
    %broadcast_in_dim3A_177 = vector.shape_cast %reduce_sum3A_176 : vector<256xf32> to vector<256x1xf32>
    %swap3A_178 = arith.constant 0 : index
    %swap3A_179 = arith.constant 0 : index
    %swap3A_180 = vector.load %arg11[%swap3A_178, %swap3A_179] : memref<256x1xf32, #tpu.memory_space<vmem>>, vector<256x1xf32>
    tpu.vector_store %arg11[%swap3A_178, %swap3A_179], %broadcast_in_dim3A_177 {strides = array<i32>} : memref<256x1xf32, #tpu.memory_space<vmem>>, vector<256x1xf32>,
    %mul3A_181 = arith.mulf %convert_element_type3A_157, %add3A_173 : vector<256x8xf32>
    %reduce_sum3A_182 = arith.constant dense<0.000000e+00> : vector<256xf32>
    %reduce_sum3A_183 = vector.multi_reduction <add>, %mul3A_181, %reduce_sum3A_182 [1] : vector<256x8xf32> to vector<256xf32>
    %broadcast_in_dim3A_184 = vector.shape_cast %reduce_sum3A_183 : vector<256xf32> to vector<256x1xf32>
    %swap3A_185 = arith.constant 0 : index
    %swap3A_186 = arith.constant 0 : index
    %swap3A_187 = vector.load %arg12[%swap3A_185, %swap3A_186] : memref<256x1xf32, #tpu.memory_space<vmem>>, vector<256x1xf32>
    tpu.vector_store %arg12[%swap3A_185, %swap3A_186], %broadcast_in_dim3A_184 {strides = array<i32>} : memref<256x1xf32, #tpu.memory_space<vmem>>, vector<256x1xf32>,
    %reduce_sum3A_188 = arith.constant dense<0.000000e+00> : vector<8xf32>
    %reduce_sum3A_189 = vector.multi_reduction <add>, %add3A_158, %reduce_sum3A_188 [0] : vector<256x8xf32> to vector<8xf32>
    %broadcast_in_dim3A_190 = vector.shape_cast %reduce_sum3A_189 : vector<8xf32> to vector<1x8xf32>
    %add3A_191 = arith.addf %get3A_165, %broadcast_in_dim3A_190 : vector<1x8xf32>
    %swap3A_192 = arith.constant 0 : index
    %swap3A_193 = arith.constant 0 : index
    %swap3A_194 = vector.load %arg16[%swap3A_192, %swap3A_193] : memref<1x8xf32, #tpu.memory_space<vmem>>, vector<1x8xf32>
    tpu.vector_store %arg16[%swap3A_192, %swap3A_193], %add3A_191 {strides = array<i32>} : memref<1x8xf32, #tpu.memory_space<vmem>>, vector<1x8xf32>,
    %get3A_195 = arith.constant 0 : index
    %get3A_196 = arith.constant 0 : index
    %get3A_197 = vector.load %arg16[%get3A_195, %get3A_196] : memref<1x8xf32, #tpu.memory_space<vmem>>, vector<1x8xf32>
    %swap3A_198 = arith.constant 0 : index
    %swap3A_199 = arith.constant 0 : index
    %swap3A_200 = vector.load %arg15[%swap3A_198, %swap3A_199] : memref<1x8xf32, #tpu.memory_space<vmem>>, vector<1x8xf32>
    tpu.vector_store %arg15[%swap3A_198, %swap3A_199], %get3A_197 {strides = array<i32>} : memref<1x8xf32, #tpu.memory_space<vmem>>, vector<1x8xf32>,
    return
  }
  func.func @transform_0(%arg0: i32) -> (i32, i32, i32) {
    %c0_i32 = arith.constant 0 : i32
    %c0_i32_0 = arith.constant 0 : i32
    %c0_i32_1 = arith.constant 0 : i32
    return %c0_i32, %arg0, %c0_i32_0 : i32, i32, i32
  }
  func.func @transform_1(%arg0: i32) -> (i32, i32) {
    %c0_i32 = arith.constant 0 : i32
    %c0_i32_0 = arith.constant 0 : i32
    %c0_i32_1 = arith.constant 0 : i32
    return %c0_i32, %c0_i32_0 : i32, i32
  }
  func.func @transform_2(%arg0: i32) -> (i32, i32) {
    %c0_i32 = arith.constant 0 : i32
    %c0_i32_0 = arith.constant 0 : i32
    return %arg0, %c0_i32 : i32, i32
  }
  func.func @transform_3(%arg0: i32) -> i32 {
    %c0_i32 = arith.constant 0 : i32
    %c0_i32_0 = arith.constant 0 : i32
    return %c0_i32 : i32
  }
  func.func @transform_4(%arg0: i32) -> i32 {
    %c0_i32 = arith.constant 0 : i32
    %c0_i32_0 = arith.constant 0 : i32
    return %c0_i32 : i32
  }
  func.func @transform_5(%arg0: i32) -> (i32, i32) {
    %c0_i32 = arith.constant 0 : i32
    %c0_i32_0 = arith.constant 0 : i32
    %c0_i32_1 = arith.constant 0 : i32
    return %c0_i32, %c0_i32_0 : i32, i32
  }
  func.func @transform_6(%arg0: i32) -> (i32, i32) {
    %c0_i32 = arith.constant 0 : i32
    %c0_i32_0 = arith.constant 0 : i32
    return %arg0, %c0_i32 : i32, i32
  }
  func.func @transform_7(%arg0: i32) -> (i32, i32) {
    %c0_i32 = arith.constant 0 : i32
    %c0_i32_0 = arith.constant 0 : i32
    return %arg0, %c0_i32 : i32, i32
  }
  func.func @transform_8(%arg0: i32) -> (i32, i32) {
    %c0_i32 = arith.constant 0 : i32
    %c0_i32_0 = arith.constant 0 : i32
    return %arg0, %c0_i32 : i32, i32
  }
  func.func @transform_9(%arg0: i32) -> (i32, i32) {
    %c0_i32 = arith.constant 0 : i32
    %c0_i32_0 = arith.constant 0 : i32
    return %arg0, %c0_i32 : i32, i32
  }
  func.func @transform_10(%arg0: i32) -> (i32, i32) {
    %c0_i32 = arith.constant 0 : i32
    %c0_i32_0 = arith.constant 0 : i32
    return %arg0, %c0_i32 : i32, i32
  }
  func.func @transform_11(%arg0: i32) -> (i32, i32) {
    %c0_i32 = arith.constant 0 : i32
    %c0_i32_0 = arith.constant 0 : i32
    return %arg0, %c0_i32 : i32, i32
  }
  func.func @transform_12(%arg0: i32) -> (i32, i32) {
    %c0_i32 = arith.constant 0 : i32
    %c0_i32_0 = arith.constant 0 : i32
    return %arg0, %c0_i32 : i32, i32
  }
  func.func @transform_13(%arg0: i32) -> (i32, i32) {
    %c0_i32 = arith.constant 0 : i32
    %c0_i32_0 = arith.constant 0 : i32
    return %arg0, %c0_i32 : i32, i32
  }
  func.func @transform_14(%arg0: i32) -> (i32, i32) {
    %c0_i32 = arith.constant 0 : i32
    %c0_i32_0 = arith.constant 0 : i32
    %c0_i32_1 = arith.constant 0 : i32
    return %c0_i32, %c0_i32_0 : i32, i32
  }
}

module attributes {stable_mosaic.version = 14 : i64} {
  func.func @_k1_body(%arg0: i32, %arg1: memref<256x768xf32, #tpu.memory_space<vmem>>, %arg2: memref<768xf32, #tpu.memory_space<vmem>>, %arg3: memref<768xf32, #tpu.memory_space<vmem>>, %arg4: memref<1280x768xf32, #tpu.memory_space<vmem>>, %arg5: memref<256x32xf32, #tpu.memory_space<vmem>>, %arg6: memref<256x32xf32, #tpu.memory_space<vmem>>, %arg7: memref<12x256x64xbf16, #tpu.memory_space<vmem>>, %arg8: memref<4x256x64xbf16, #tpu.memory_space<vmem>>, %arg9: memref<4x256x64xbf16, #tpu.memory_space<vmem>>) attributes {dimension_semantics = [#tpu.dimension_semantics<arbitrary>], iteration_bounds = array<i64: 8>, scalar_prefetch = 0 : i64, scratch_operands = 0 : i64, tpu.core_type = #tpu.core_type<tc>, window_params = [{transform_indices = @transform_0, window_bounds = array<i64: 256, 768>}, {pipeline_mode = #tpu.pipeline_mode<synchronous>, transform_indices = @transform_1, window_bounds = array<i64: 768>}, {pipeline_mode = #tpu.pipeline_mode<synchronous>, transform_indices = @transform_2, window_bounds = array<i64: 768>}, {pipeline_mode = #tpu.pipeline_mode<synchronous>, transform_indices = @transform_3, window_bounds = array<i64: 1280, 768>}, {transform_indices = @transform_4, window_bounds = array<i64: 256, 32>}, {transform_indices = @transform_5, window_bounds = array<i64: 256, 32>}, {transform_indices = @transform_6, window_bounds = array<i64: 12, 256, 64>}, {transform_indices = @transform_7, window_bounds = array<i64: 4, 256, 64>}, {transform_indices = @transform_8, window_bounds = array<i64: 4, 256, 64>}]} {
    %get3A = arith.constant 0 : index
    %get3A_0 = arith.constant 0 : index
    %get3A_1 = vector.load %arg1[%get3A, %get3A_0] : memref<256x768xf32, #tpu.memory_space<vmem>>, vector<256x768xf32>
    %reduce_sum3A = arith.constant dense<0.000000e+00> : vector<256xf32>
    %reduce_sum3A_2 = vector.multi_reduction <add>, %get3A_1, %reduce_sum3A [1] : vector<256x768xf32> to vector<256xf32>
    %broadcast_in_dim3A = vector.shape_cast %reduce_sum3A_2 : vector<256xf32> to vector<256x1xf32>
    %div3A = arith.constant 7.680000e+02 : f32
    %div3A_3 = vector.broadcast %div3A : f32 to vector<256x1xf32>
    %div3A_4 = arith.divf %broadcast_in_dim3A, %div3A_3 : vector<256x1xf32>
    %sub3A = vector.broadcast %div3A_4 : vector<256x1xf32> to vector<256x768xf32>
    %sub3A_5 = arith.subf %get3A_1, %sub3A : vector<256x768xf32>
    %integer_pow3A = arith.mulf %sub3A_5, %sub3A_5 : vector<256x768xf32>
    %reduce_sum3A_6 = arith.constant dense<0.000000e+00> : vector<256xf32>
    %reduce_sum3A_7 = vector.multi_reduction <add>, %integer_pow3A, %reduce_sum3A_6 [1] : vector<256x768xf32> to vector<256xf32>
    %broadcast_in_dim3A_8 = vector.shape_cast %reduce_sum3A_7 : vector<256xf32> to vector<256x1xf32>
    %div3A_9 = arith.constant 7.680000e+02 : f32
    %div3A_10 = vector.broadcast %div3A_9 : f32 to vector<256x1xf32>
    %div3A_11 = arith.divf %broadcast_in_dim3A_8, %div3A_10 : vector<256x1xf32>
    %sub3A_12 = vector.broadcast %div3A_4 : vector<256x1xf32> to vector<256x768xf32>
    %sub3A_13 = arith.subf %get3A_1, %sub3A_12 : vector<256x768xf32>
    %add3A = arith.constant 9.99999974E-6 : f32
    %add3A_14 = vector.broadcast %add3A : f32 to vector<256x1xf32>
    %add3A_15 = arith.addf %div3A_11, %add3A_14 : vector<256x1xf32>
    %rsqrt3A = math.rsqrt %add3A_15 : vector<256x1xf32>
    %mul3A = vector.broadcast %rsqrt3A : vector<256x1xf32> to vector<256x768xf32>
    %mul3A_16 = arith.mulf %sub3A_13, %mul3A : vector<256x768xf32>
    %get3A_17 = arith.constant 0 : index
    %get3A_18 = vector.load %arg2[%get3A_17] : memref<768xf32, #tpu.memory_space<vmem>>, vector<768xf32>
    %broadcast_in_dim3A_19 = vector.shape_cast %get3A_18 : vector<768xf32> to vector<1x768xf32>
    %mul3A_20 = vector.broadcast %broadcast_in_dim3A_19 : vector<1x768xf32> to vector<256x768xf32>
    %mul3A_21 = arith.mulf %mul3A_16, %mul3A_20 : vector<256x768xf32>
    %get3A_22 = arith.constant 0 : index
    %get3A_23 = vector.load %arg3[%get3A_22] : memref<768xf32, #tpu.memory_space<vmem>>, vector<768xf32>
    %broadcast_in_dim3A_24 = vector.shape_cast %get3A_23 : vector<768xf32> to vector<1x768xf32>
    %add3A_25 = vector.broadcast %broadcast_in_dim3A_24 : vector<1x768xf32> to vector<256x768xf32>
    %add3A_26 = arith.addf %mul3A_21, %add3A_25 : vector<256x768xf32>
    %convert_element_type3A = arith.truncf %add3A_26 : vector<256x768xf32> to vector<256x768xbf16>
    %get3A_27 = arith.constant 0 : index
    %get3A_28 = arith.constant 0 : index
    %get3A_29 = vector.load %arg4[%get3A_27, %get3A_28] : memref<1280x768xf32, #tpu.memory_space<vmem>>, vector<1280x768xf32>
    %convert_element_type3A_30 = arith.truncf %get3A_29 : vector<1280x768xf32> to vector<1280x768xbf16>
    %dot_general3A = arith.constant dense<0.000000e+00> : vector<256x1280xf32>
    %dot_general3A_31 = tpu.matmul %convert_element_type3A, %convert_element_type3A_30, %dot_general3A {dimension_numbers = #tpu.dot_dimension_numbers<[1], [1], [0], [0], [0, 0, 1, 0], [], []>, transpose_lhs_hint = false} : vector<256x768xbf16>, vector<1280x768xbf16>, vector<256x1280xf32> -> vector<256x1280xf32>
    %jit3A = arith.constant -8.000000e+00 : f32
    %jit3A_32 = arith.constant 8.000000e+00 : f32
    %max3A = vector.broadcast %jit3A : f32 to vector<256x1280xf32>
    %max3A_33 = arith.maximumf %max3A, %dot_general3A_31 : vector<256x1280xf32>
    %min3A = vector.broadcast %jit3A_32 : f32 to vector<256x1280xf32>
    %min3A_34 = arith.minimumf %min3A, %max3A_33 : vector<256x1280xf32>
    %get3A_35 = arith.constant 0 : index
    %get3A_36 = arith.constant 0 : index
    %get3A_37 = vector.load %arg5[%get3A_35, %get3A_36] : memref<256x32xf32, #tpu.memory_space<vmem>>, vector<256x32xf32>
    %get3A_38 = arith.constant 0 : index
    %get3A_39 = arith.constant 0 : index
    %get3A_40 = vector.load %arg6[%get3A_38, %get3A_39] : memref<256x32xf32, #tpu.memory_space<vmem>>, vector<256x32xf32>
    %slice3A = vector.extract_strided_slice %min3A_34 {offsets = [0, 0], sizes = [256, 32], strides = [1, 1]} : vector<256x1280xf32> to vector<256x32xf32>
    %slice3A_41 = vector.extract_strided_slice %min3A_34 {offsets = [0, 32], sizes = [256, 32], strides = [1, 1]} : vector<256x1280xf32> to vector<256x32xf32>
    %mul3A_42 = arith.mulf %slice3A, %get3A_37 : vector<256x32xf32>
    %mul3A_43 = arith.mulf %slice3A_41, %get3A_40 : vector<256x32xf32>
    %sub3A_44 = arith.subf %mul3A_42, %mul3A_43 : vector<256x32xf32>
    %mul3A_45 = arith.constant 1.250000e-01 : f32
    %mul3A_46 = vector.broadcast %mul3A_45 : f32 to vector<256x32xf32>
    %mul3A_47 = arith.mulf %sub3A_44, %mul3A_46 : vector<256x32xf32>
    %convert_element_type3A_48 = arith.truncf %mul3A_47 : vector<256x32xf32> to vector<256x32xbf16>
    %swap3A = arith.constant 0 : index
    %swap3A_49 = arith.constant 0 : index
    %swap3A_50 = arith.constant 0 : index
    %swap3A_51 = vector.load %arg7[%swap3A, %swap3A_49, %swap3A_50] : memref<12x256x64xbf16, #tpu.memory_space<vmem>>, vector<1x256x32xbf16>
    %swap3A_52 = vector.shape_cast %swap3A_51 : vector<1x256x32xbf16> to vector<256x32xbf16>
    %swap3A_53 = vector.shape_cast %convert_element_type3A_48 : vector<256x32xbf16> to vector<1x256x32xbf16>
    tpu.vector_store %arg7[%swap3A, %swap3A_49, %swap3A_50], %swap3A_53 {strides = array<i32>} : memref<12x256x64xbf16, #tpu.memory_space<vmem>>, vector<1x256x32xbf16>,
    %mul3A_54 = arith.mulf %slice3A, %get3A_40 : vector<256x32xf32>
    %mul3A_55 = arith.mulf %slice3A_41, %get3A_37 : vector<256x32xf32>
    %add3A_56 = arith.addf %mul3A_54, %mul3A_55 : vector<256x32xf32>
    %mul3A_57 = arith.constant 1.250000e-01 : f32
    %mul3A_58 = vector.broadcast %mul3A_57 : f32 to vector<256x32xf32>
    %mul3A_59 = arith.mulf %add3A_56, %mul3A_58 : vector<256x32xf32>
    %convert_element_type3A_60 = arith.truncf %mul3A_59 : vector<256x32xf32> to vector<256x32xbf16>
    %swap3A_61 = arith.constant 0 : index
    %swap3A_62 = arith.constant 0 : index
    %swap3A_63 = arith.constant 32 : index
    %swap3A_64 = vector.load %arg7[%swap3A_61, %swap3A_62, %swap3A_63] : memref<12x256x64xbf16, #tpu.memory_space<vmem>>, vector<1x256x32xbf16>
    %swap3A_65 = vector.shape_cast %swap3A_64 : vector<1x256x32xbf16> to vector<256x32xbf16>
    %swap3A_66 = vector.shape_cast %convert_element_type3A_60 : vector<256x32xbf16> to vector<1x256x32xbf16>
    tpu.vector_store %arg7[%swap3A_61, %swap3A_62, %swap3A_63], %swap3A_66 {strides = array<i32>} : memref<12x256x64xbf16, #tpu.memory_space<vmem>>, vector<1x256x32xbf16>,
    %slice3A_67 = vector.extract_strided_slice %min3A_34 {offsets = [0, 64], sizes = [256, 32], strides = [1, 1]} : vector<256x1280xf32> to vector<256x32xf32>
    %slice3A_68 = vector.extract_strided_slice %min3A_34 {offsets = [0, 96], sizes = [256, 32], strides = [1, 1]} : vector<256x1280xf32> to vector<256x32xf32>
    %mul3A_69 = arith.mulf %slice3A_67, %get3A_37 : vector<256x32xf32>
    %mul3A_70 = arith.mulf %slice3A_68, %get3A_40 : vector<256x32xf32>
    %sub3A_71 = arith.subf %mul3A_69, %mul3A_70 : vector<256x32xf32>
    %mul3A_72 = arith.constant 1.250000e-01 : f32
    %mul3A_73 = vector.broadcast %mul3A_72 : f32 to vector<256x32xf32>
    %mul3A_74 = arith.mulf %sub3A_71, %mul3A_73 : vector<256x32xf32>
    %convert_element_type3A_75 = arith.truncf %mul3A_74 : vector<256x32xf32> to vector<256x32xbf16>
    %swap3A_76 = arith.constant 1 : index
    %swap3A_77 = arith.constant 0 : index
    %swap3A_78 = arith.constant 0 : index
    %swap3A_79 = vector.load %arg7[%swap3A_76, %swap3A_77, %swap3A_78] : memref<12x256x64xbf16, #tpu.memory_space<vmem>>, vector<1x256x32xbf16>
    %swap3A_80 = vector.shape_cast %swap3A_79 : vector<1x256x32xbf16> to vector<256x32xbf16>
    %swap3A_81 = vector.shape_cast %convert_element_type3A_75 : vector<256x32xbf16> to vector<1x256x32xbf16>
    tpu.vector_store %arg7[%swap3A_76, %swap3A_77, %swap3A_78], %swap3A_81 {strides = array<i32>} : memref<12x256x64xbf16, #tpu.memory_space<vmem>>, vector<1x256x32xbf16>,
    %mul3A_82 = arith.mulf %slice3A_67, %get3A_40 : vector<256x32xf32>
    %mul3A_83 = arith.mulf %slice3A_68, %get3A_37 : vector<256x32xf32>
    %add3A_84 = arith.addf %mul3A_82, %mul3A_83 : vector<256x32xf32>
    %mul3A_85 = arith.constant 1.250000e-01 : f32
    %mul3A_86 = vector.broadcast %mul3A_85 : f32 to vector<256x32xf32>
    %mul3A_87 = arith.mulf %add3A_84, %mul3A_86 : vector<256x32xf32>
    %convert_element_type3A_88 = arith.truncf %mul3A_87 : vector<256x32xf32> to vector<256x32xbf16>
    %swap3A_89 = arith.constant 1 : index
    %swap3A_90 = arith.constant 0 : index
    %swap3A_91 = arith.constant 32 : index
    %swap3A_92 = vector.load %arg7[%swap3A_89, %swap3A_90, %swap3A_91] : memref<12x256x64xbf16, #tpu.memory_space<vmem>>, vector<1x256x32xbf16>
    %swap3A_93 = vector.shape_cast %swap3A_92 : vector<1x256x32xbf16> to vector<256x32xbf16>
    %swap3A_94 = vector.shape_cast %convert_element_type3A_88 : vector<256x32xbf16> to vector<1x256x32xbf16>
    tpu.vector_store %arg7[%swap3A_89, %swap3A_90, %swap3A_91], %swap3A_94 {strides = array<i32>} : memref<12x256x64xbf16, #tpu.memory_space<vmem>>, vector<1x256x32xbf16>,
    %slice3A_95 = vector.extract_strided_slice %min3A_34 {offsets = [0, 128], sizes = [256, 32], strides = [1, 1]} : vector<256x1280xf32> to vector<256x32xf32>
    %slice3A_96 = vector.extract_strided_slice %min3A_34 {offsets = [0, 160], sizes = [256, 32], strides = [1, 1]} : vector<256x1280xf32> to vector<256x32xf32>
    %mul3A_97 = arith.mulf %slice3A_95, %get3A_37 : vector<256x32xf32>
    %mul3A_98 = arith.mulf %slice3A_96, %get3A_40 : vector<256x32xf32>
    %sub3A_99 = arith.subf %mul3A_97, %mul3A_98 : vector<256x32xf32>
    %mul3A_100 = arith.constant 1.250000e-01 : f32
    %mul3A_101 = vector.broadcast %mul3A_100 : f32 to vector<256x32xf32>
    %mul3A_102 = arith.mulf %sub3A_99, %mul3A_101 : vector<256x32xf32>
    %convert_element_type3A_103 = arith.truncf %mul3A_102 : vector<256x32xf32> to vector<256x32xbf16>
    %swap3A_104 = arith.constant 2 : index
    %swap3A_105 = arith.constant 0 : index
    %swap3A_106 = arith.constant 0 : index
    %swap3A_107 = vector.load %arg7[%swap3A_104, %swap3A_105, %swap3A_106] : memref<12x256x64xbf16, #tpu.memory_space<vmem>>, vector<1x256x32xbf16>
    %swap3A_108 = vector.shape_cast %swap3A_107 : vector<1x256x32xbf16> to vector<256x32xbf16>
    %swap3A_109 = vector.shape_cast %convert_element_type3A_103 : vector<256x32xbf16> to vector<1x256x32xbf16>
    tpu.vector_store %arg7[%swap3A_104, %swap3A_105, %swap3A_106], %swap3A_109 {strides = array<i32>} : memref<12x256x64xbf16, #tpu.memory_space<vmem>>, vector<1x256x32xbf16>,
    %mul3A_110 = arith.mulf %slice3A_95, %get3A_40 : vector<256x32xf32>
    %mul3A_111 = arith.mulf %slice3A_96, %get3A_37 : vector<256x32xf32>
    %add3A_112 = arith.addf %mul3A_110, %mul3A_111 : vector<256x32xf32>
    %mul3A_113 = arith.constant 1.250000e-01 : f32
    %mul3A_114 = vector.broadcast %mul3A_113 : f32 to vector<256x32xf32>
    %mul3A_115 = arith.mulf %add3A_112, %mul3A_114 : vector<256x32xf32>
    %convert_element_type3A_116 = arith.truncf %mul3A_115 : vector<256x32xf32> to vector<256x32xbf16>
    %swap3A_117 = arith.constant 2 : index
    %swap3A_118 = arith.constant 0 : index
    %swap3A_119 = arith.constant 32 : index
    %swap3A_120 = vector.load %arg7[%swap3A_117, %swap3A_118, %swap3A_119] : memref<12x256x64xbf16, #tpu.memory_space<vmem>>, vector<1x256x32xbf16>
    %swap3A_121 = vector.shape_cast %swap3A_120 : vector<1x256x32xbf16> to vector<256x32xbf16>
    %swap3A_122 = vector.shape_cast %convert_element_type3A_116 : vector<256x32xbf16> to vector<1x256x32xbf16>
    tpu.vector_store %arg7[%swap3A_117, %swap3A_118, %swap3A_119], %swap3A_122 {strides = array<i32>} : memref<12x256x64xbf16, #tpu.memory_space<vmem>>, vector<1x256x32xbf16>,
    %slice3A_123 = vector.extract_strided_slice %min3A_34 {offsets = [0, 192], sizes = [256, 32], strides = [1, 1]} : vector<256x1280xf32> to vector<256x32xf32>
    %slice3A_124 = vector.extract_strided_slice %min3A_34 {offsets = [0, 224], sizes = [256, 32], strides = [1, 1]} : vector<256x1280xf32> to vector<256x32xf32>
    %mul3A_125 = arith.mulf %slice3A_123, %get3A_37 : vector<256x32xf32>
    %mul3A_126 = arith.mulf %slice3A_124, %get3A_40 : vector<256x32xf32>
    %sub3A_127 = arith.subf %mul3A_125, %mul3A_126 : vector<256x32xf32>
    %mul3A_128 = arith.constant 1.250000e-01 : f32
    %mul3A_129 = vector.broadcast %mul3A_128 : f32 to vector<256x32xf32>
    %mul3A_130 = arith.mulf %sub3A_127, %mul3A_129 : vector<256x32xf32>
    %convert_element_type3A_131 = arith.truncf %mul3A_130 : vector<256x32xf32> to vector<256x32xbf16>
    %swap3A_132 = arith.constant 3 : index
    %swap3A_133 = arith.constant 0 : index
    %swap3A_134 = arith.constant 0 : index
    %swap3A_135 = vector.load %arg7[%swap3A_132, %swap3A_133, %swap3A_134] : memref<12x256x64xbf16, #tpu.memory_space<vmem>>, vector<1x256x32xbf16>
    %swap3A_136 = vector.shape_cast %swap3A_135 : vector<1x256x32xbf16> to vector<256x32xbf16>
    %swap3A_137 = vector.shape_cast %convert_element_type3A_131 : vector<256x32xbf16> to vector<1x256x32xbf16>
    tpu.vector_store %arg7[%swap3A_132, %swap3A_133, %swap3A_134], %swap3A_137 {strides = array<i32>} : memref<12x256x64xbf16, #tpu.memory_space<vmem>>, vector<1x256x32xbf16>,
    %mul3A_138 = arith.mulf %slice3A_123, %get3A_40 : vector<256x32xf32>
    %mul3A_139 = arith.mulf %slice3A_124, %get3A_37 : vector<256x32xf32>
    %add3A_140 = arith.addf %mul3A_138, %mul3A_139 : vector<256x32xf32>
    %mul3A_141 = arith.constant 1.250000e-01 : f32
    %mul3A_142 = vector.broadcast %mul3A_141 : f32 to vector<256x32xf32>
    %mul3A_143 = arith.mulf %add3A_140, %mul3A_142 : vector<256x32xf32>
    %convert_element_type3A_144 = arith.truncf %mul3A_143 : vector<256x32xf32> to vector<256x32xbf16>
    %swap3A_145 = arith.constant 3 : index
    %swap3A_146 = arith.constant 0 : index
    %swap3A_147 = arith.constant 32 : index
    %swap3A_148 = vector.load %arg7[%swap3A_145, %swap3A_146, %swap3A_147] : memref<12x256x64xbf16, #tpu.memory_space<vmem>>, vector<1x256x32xbf16>
    %swap3A_149 = vector.shape_cast %swap3A_148 : vector<1x256x32xbf16> to vector<256x32xbf16>
    %swap3A_150 = vector.shape_cast %convert_element_type3A_144 : vector<256x32xbf16> to vector<1x256x32xbf16>
    tpu.vector_store %arg7[%swap3A_145, %swap3A_146, %swap3A_147], %swap3A_150 {strides = array<i32>} : memref<12x256x64xbf16, #tpu.memory_space<vmem>>, vector<1x256x32xbf16>,
    %slice3A_151 = vector.extract_strided_slice %min3A_34 {offsets = [0, 256], sizes = [256, 32], strides = [1, 1]} : vector<256x1280xf32> to vector<256x32xf32>
    %slice3A_152 = vector.extract_strided_slice %min3A_34 {offsets = [0, 288], sizes = [256, 32], strides = [1, 1]} : vector<256x1280xf32> to vector<256x32xf32>
    %mul3A_153 = arith.mulf %slice3A_151, %get3A_37 : vector<256x32xf32>
    %mul3A_154 = arith.mulf %slice3A_152, %get3A_40 : vector<256x32xf32>
    %sub3A_155 = arith.subf %mul3A_153, %mul3A_154 : vector<256x32xf32>
    %mul3A_156 = arith.constant 1.250000e-01 : f32
    %mul3A_157 = vector.broadcast %mul3A_156 : f32 to vector<256x32xf32>
    %mul3A_158 = arith.mulf %sub3A_155, %mul3A_157 : vector<256x32xf32>
    %convert_element_type3A_159 = arith.truncf %mul3A_158 : vector<256x32xf32> to vector<256x32xbf16>
    %swap3A_160 = arith.constant 4 : index
    %swap3A_161 = arith.constant 0 : index
    %swap3A_162 = arith.constant 0 : index
    %swap3A_163 = vector.load %arg7[%swap3A_160, %swap3A_161, %swap3A_162] : memref<12x256x64xbf16, #tpu.memory_space<vmem>>, vector<1x256x32xbf16>
    %swap3A_164 = vector.shape_cast %swap3A_163 : vector<1x256x32xbf16> to vector<256x32xbf16>
    %swap3A_165 = vector.shape_cast %convert_element_type3A_159 : vector<256x32xbf16> to vector<1x256x32xbf16>
    tpu.vector_store %arg7[%swap3A_160, %swap3A_161, %swap3A_162], %swap3A_165 {strides = array<i32>} : memref<12x256x64xbf16, #tpu.memory_space<vmem>>, vector<1x256x32xbf16>,
    %mul3A_166 = arith.mulf %slice3A_151, %get3A_40 : vector<256x32xf32>
    %mul3A_167 = arith.mulf %slice3A_152, %get3A_37 : vector<256x32xf32>
    %add3A_168 = arith.addf %mul3A_166, %mul3A_167 : vector<256x32xf32>
    %mul3A_169 = arith.constant 1.250000e-01 : f32
    %mul3A_170 = vector.broadcast %mul3A_169 : f32 to vector<256x32xf32>
    %mul3A_171 = arith.mulf %add3A_168, %mul3A_170 : vector<256x32xf32>
    %convert_element_type3A_172 = arith.truncf %mul3A_171 : vector<256x32xf32> to vector<256x32xbf16>
    %swap3A_173 = arith.constant 4 : index
    %swap3A_174 = arith.constant 0 : index
    %swap3A_175 = arith.constant 32 : index
    %swap3A_176 = vector.load %arg7[%swap3A_173, %swap3A_174, %swap3A_175] : memref<12x256x64xbf16, #tpu.memory_space<vmem>>, vector<1x256x32xbf16>
    %swap3A_177 = vector.shape_cast %swap3A_176 : vector<1x256x32xbf16> to vector<256x32xbf16>
    %swap3A_178 = vector.shape_cast %convert_element_type3A_172 : vector<256x32xbf16> to vector<1x256x32xbf16>
    tpu.vector_store %arg7[%swap3A_173, %swap3A_174, %swap3A_175], %swap3A_178 {strides = array<i32>} : memref<12x256x64xbf16, #tpu.memory_space<vmem>>, vector<1x256x32xbf16>,
    %slice3A_179 = vector.extract_strided_slice %min3A_34 {offsets = [0, 320], sizes = [256, 32], strides = [1, 1]} : vector<256x1280xf32> to vector<256x32xf32>
    %slice3A_180 = vector.extract_strided_slice %min3A_34 {offsets = [0, 352], sizes = [256, 32], strides = [1, 1]} : vector<256x1280xf32> to vector<256x32xf32>
    %mul3A_181 = arith.mulf %slice3A_179, %get3A_37 : vector<256x32xf32>
    %mul3A_182 = arith.mulf %slice3A_180, %get3A_40 : vector<256x32xf32>
    %sub3A_183 = arith.subf %mul3A_181, %mul3A_182 : vector<256x32xf32>
    %mul3A_184 = arith.constant 1.250000e-01 : f32
    %mul3A_185 = vector.broadcast %mul3A_184 : f32 to vector<256x32xf32>
    %mul3A_186 = arith.mulf %sub3A_183, %mul3A_185 : vector<256x32xf32>
    %convert_element_type3A_187 = arith.truncf %mul3A_186 : vector<256x32xf32> to vector<256x32xbf16>
    %swap3A_188 = arith.constant 5 : index
    %swap3A_189 = arith.constant 0 : index
    %swap3A_190 = arith.constant 0 : index
    %swap3A_191 = vector.load %arg7[%swap3A_188, %swap3A_189, %swap3A_190] : memref<12x256x64xbf16, #tpu.memory_space<vmem>>, vector<1x256x32xbf16>
    %swap3A_192 = vector.shape_cast %swap3A_191 : vector<1x256x32xbf16> to vector<256x32xbf16>
    %swap3A_193 = vector.shape_cast %convert_element_type3A_187 : vector<256x32xbf16> to vector<1x256x32xbf16>
    tpu.vector_store %arg7[%swap3A_188, %swap3A_189, %swap3A_190], %swap3A_193 {strides = array<i32>} : memref<12x256x64xbf16, #tpu.memory_space<vmem>>, vector<1x256x32xbf16>,
    %mul3A_194 = arith.mulf %slice3A_179, %get3A_40 : vector<256x32xf32>
    %mul3A_195 = arith.mulf %slice3A_180, %get3A_37 : vector<256x32xf32>
    %add3A_196 = arith.addf %mul3A_194, %mul3A_195 : vector<256x32xf32>
    %mul3A_197 = arith.constant 1.250000e-01 : f32
    %mul3A_198 = vector.broadcast %mul3A_197 : f32 to vector<256x32xf32>
    %mul3A_199 = arith.mulf %add3A_196, %mul3A_198 : vector<256x32xf32>
    %convert_element_type3A_200 = arith.truncf %mul3A_199 : vector<256x32xf32> to vector<256x32xbf16>
    %swap3A_201 = arith.constant 5 : index
    %swap3A_202 = arith.constant 0 : index
    %swap3A_203 = arith.constant 32 : index
    %swap3A_204 = vector.load %arg7[%swap3A_201, %swap3A_202, %swap3A_203] : memref<12x256x64xbf16, #tpu.memory_space<vmem>>, vector<1x256x32xbf16>
    %swap3A_205 = vector.shape_cast %swap3A_204 : vector<1x256x32xbf16> to vector<256x32xbf16>
    %swap3A_206 = vector.shape_cast %convert_element_type3A_200 : vector<256x32xbf16> to vector<1x256x32xbf16>
    tpu.vector_store %arg7[%swap3A_201, %swap3A_202, %swap3A_203], %swap3A_206 {strides = array<i32>} : memref<12x256x64xbf16, #tpu.memory_space<vmem>>, vector<1x256x32xbf16>,
    %slice3A_207 = vector.extract_strided_slice %min3A_34 {offsets = [0, 384], sizes = [256, 32], strides = [1, 1]} : vector<256x1280xf32> to vector<256x32xf32>
    %slice3A_208 = vector.extract_strided_slice %min3A_34 {offsets = [0, 416], sizes = [256, 32], strides = [1, 1]} : vector<256x1280xf32> to vector<256x32xf32>
    %mul3A_209 = arith.mulf %slice3A_207, %get3A_37 : vector<256x32xf32>
    %mul3A_210 = arith.mulf %slice3A_208, %get3A_40 : vector<256x32xf32>
    %sub3A_211 = arith.subf %mul3A_209, %mul3A_210 : vector<256x32xf32>
    %mul3A_212 = arith.constant 1.250000e-01 : f32
    %mul3A_213 = vector.broadcast %mul3A_212 : f32 to vector<256x32xf32>
    %mul3A_214 = arith.mulf %sub3A_211, %mul3A_213 : vector<256x32xf32>
    %convert_element_type3A_215 = arith.truncf %mul3A_214 : vector<256x32xf32> to vector<256x32xbf16>
    %swap3A_216 = arith.constant 6 : index
    %swap3A_217 = arith.constant 0 : index
    %swap3A_218 = arith.constant 0 : index
    %swap3A_219 = vector.load %arg7[%swap3A_216, %swap3A_217, %swap3A_218] : memref<12x256x64xbf16, #tpu.memory_space<vmem>>, vector<1x256x32xbf16>
    %swap3A_220 = vector.shape_cast %swap3A_219 : vector<1x256x32xbf16> to vector<256x32xbf16>
    %swap3A_221 = vector.shape_cast %convert_element_type3A_215 : vector<256x32xbf16> to vector<1x256x32xbf16>
    tpu.vector_store %arg7[%swap3A_216, %swap3A_217, %swap3A_218], %swap3A_221 {strides = array<i32>} : memref<12x256x64xbf16, #tpu.memory_space<vmem>>, vector<1x256x32xbf16>,
    %mul3A_222 = arith.mulf %slice3A_207, %get3A_40 : vector<256x32xf32>
    %mul3A_223 = arith.mulf %slice3A_208, %get3A_37 : vector<256x32xf32>
    %add3A_224 = arith.addf %mul3A_222, %mul3A_223 : vector<256x32xf32>
    %mul3A_225 = arith.constant 1.250000e-01 : f32
    %mul3A_226 = vector.broadcast %mul3A_225 : f32 to vector<256x32xf32>
    %mul3A_227 = arith.mulf %add3A_224, %mul3A_226 : vector<256x32xf32>
    %convert_element_type3A_228 = arith.truncf %mul3A_227 : vector<256x32xf32> to vector<256x32xbf16>
    %swap3A_229 = arith.constant 6 : index
    %swap3A_230 = arith.constant 0 : index
    %swap3A_231 = arith.constant 32 : index
    %swap3A_232 = vector.load %arg7[%swap3A_229, %swap3A_230, %swap3A_231] : memref<12x256x64xbf16, #tpu.memory_space<vmem>>, vector<1x256x32xbf16>
    %swap3A_233 = vector.shape_cast %swap3A_232 : vector<1x256x32xbf16> to vector<256x32xbf16>
    %swap3A_234 = vector.shape_cast %convert_element_type3A_228 : vector<256x32xbf16> to vector<1x256x32xbf16>
    tpu.vector_store %arg7[%swap3A_229, %swap3A_230, %swap3A_231], %swap3A_234 {strides = array<i32>} : memref<12x256x64xbf16, #tpu.memory_space<vmem>>, vector<1x256x32xbf16>,
    %slice3A_235 = vector.extract_strided_slice %min3A_34 {offsets = [0, 448], sizes = [256, 32], strides = [1, 1]} : vector<256x1280xf32> to vector<256x32xf32>
    %slice3A_236 = vector.extract_strided_slice %min3A_34 {offsets = [0, 480], sizes = [256, 32], strides = [1, 1]} : vector<256x1280xf32> to vector<256x32xf32>
    %mul3A_237 = arith.mulf %slice3A_235, %get3A_37 : vector<256x32xf32>
    %mul3A_238 = arith.mulf %slice3A_236, %get3A_40 : vector<256x32xf32>
    %sub3A_239 = arith.subf %mul3A_237, %mul3A_238 : vector<256x32xf32>
    %mul3A_240 = arith.constant 1.250000e-01 : f32
    %mul3A_241 = vector.broadcast %mul3A_240 : f32 to vector<256x32xf32>
    %mul3A_242 = arith.mulf %sub3A_239, %mul3A_241 : vector<256x32xf32>
    %convert_element_type3A_243 = arith.truncf %mul3A_242 : vector<256x32xf32> to vector<256x32xbf16>
    %swap3A_244 = arith.constant 7 : index
    %swap3A_245 = arith.constant 0 : index
    %swap3A_246 = arith.constant 0 : index
    %swap3A_247 = vector.load %arg7[%swap3A_244, %swap3A_245, %swap3A_246] : memref<12x256x64xbf16, #tpu.memory_space<vmem>>, vector<1x256x32xbf16>
    %swap3A_248 = vector.shape_cast %swap3A_247 : vector<1x256x32xbf16> to vector<256x32xbf16>
    %swap3A_249 = vector.shape_cast %convert_element_type3A_243 : vector<256x32xbf16> to vector<1x256x32xbf16>
    tpu.vector_store %arg7[%swap3A_244, %swap3A_245, %swap3A_246], %swap3A_249 {strides = array<i32>} : memref<12x256x64xbf16, #tpu.memory_space<vmem>>, vector<1x256x32xbf16>,
    %mul3A_250 = arith.mulf %slice3A_235, %get3A_40 : vector<256x32xf32>
    %mul3A_251 = arith.mulf %slice3A_236, %get3A_37 : vector<256x32xf32>
    %add3A_252 = arith.addf %mul3A_250, %mul3A_251 : vector<256x32xf32>
    %mul3A_253 = arith.constant 1.250000e-01 : f32
    %mul3A_254 = vector.broadcast %mul3A_253 : f32 to vector<256x32xf32>
    %mul3A_255 = arith.mulf %add3A_252, %mul3A_254 : vector<256x32xf32>
    %convert_element_type3A_256 = arith.truncf %mul3A_255 : vector<256x32xf32> to vector<256x32xbf16>
    %swap3A_257 = arith.constant 7 : index
    %swap3A_258 = arith.constant 0 : index
    %swap3A_259 = arith.constant 32 : index
    %swap3A_260 = vector.load %arg7[%swap3A_257, %swap3A_258, %swap3A_259] : memref<12x256x64xbf16, #tpu.memory_space<vmem>>, vector<1x256x32xbf16>
    %swap3A_261 = vector.shape_cast %swap3A_260 : vector<1x256x32xbf16> to vector<256x32xbf16>
    %swap3A_262 = vector.shape_cast %convert_element_type3A_256 : vector<256x32xbf16> to vector<1x256x32xbf16>
    tpu.vector_store %arg7[%swap3A_257, %swap3A_258, %swap3A_259], %swap3A_262 {strides = array<i32>} : memref<12x256x64xbf16, #tpu.memory_space<vmem>>, vector<1x256x32xbf16>,
    %slice3A_263 = vector.extract_strided_slice %min3A_34 {offsets = [0, 512], sizes = [256, 32], strides = [1, 1]} : vector<256x1280xf32> to vector<256x32xf32>
    %slice3A_264 = vector.extract_strided_slice %min3A_34 {offsets = [0, 544], sizes = [256, 32], strides = [1, 1]} : vector<256x1280xf32> to vector<256x32xf32>
    %mul3A_265 = arith.mulf %slice3A_263, %get3A_37 : vector<256x32xf32>
    %mul3A_266 = arith.mulf %slice3A_264, %get3A_40 : vector<256x32xf32>
    %sub3A_267 = arith.subf %mul3A_265, %mul3A_266 : vector<256x32xf32>
    %mul3A_268 = arith.constant 1.250000e-01 : f32
    %mul3A_269 = vector.broadcast %mul3A_268 : f32 to vector<256x32xf32>
    %mul3A_270 = arith.mulf %sub3A_267, %mul3A_269 : vector<256x32xf32>
    %convert_element_type3A_271 = arith.truncf %mul3A_270 : vector<256x32xf32> to vector<256x32xbf16>
    %swap3A_272 = arith.constant 8 : index
    %swap3A_273 = arith.constant 0 : index
    %swap3A_274 = arith.constant 0 : index
    %swap3A_275 = vector.load %arg7[%swap3A_272, %swap3A_273, %swap3A_274] : memref<12x256x64xbf16, #tpu.memory_space<vmem>>, vector<1x256x32xbf16>
    %swap3A_276 = vector.shape_cast %swap3A_275 : vector<1x256x32xbf16> to vector<256x32xbf16>
    %swap3A_277 = vector.shape_cast %convert_element_type3A_271 : vector<256x32xbf16> to vector<1x256x32xbf16>
    tpu.vector_store %arg7[%swap3A_272, %swap3A_273, %swap3A_274], %swap3A_277 {strides = array<i32>} : memref<12x256x64xbf16, #tpu.memory_space<vmem>>, vector<1x256x32xbf16>,
    %mul3A_278 = arith.mulf %slice3A_263, %get3A_40 : vector<256x32xf32>
    %mul3A_279 = arith.mulf %slice3A_264, %get3A_37 : vector<256x32xf32>
    %add3A_280 = arith.addf %mul3A_278, %mul3A_279 : vector<256x32xf32>
    %mul3A_281 = arith.constant 1.250000e-01 : f32
    %mul3A_282 = vector.broadcast %mul3A_281 : f32 to vector<256x32xf32>
    %mul3A_283 = arith.mulf %add3A_280, %mul3A_282 : vector<256x32xf32>
    %convert_element_type3A_284 = arith.truncf %mul3A_283 : vector<256x32xf32> to vector<256x32xbf16>
    %swap3A_285 = arith.constant 8 : index
    %swap3A_286 = arith.constant 0 : index
    %swap3A_287 = arith.constant 32 : index
    %swap3A_288 = vector.load %arg7[%swap3A_285, %swap3A_286, %swap3A_287] : memref<12x256x64xbf16, #tpu.memory_space<vmem>>, vector<1x256x32xbf16>
    %swap3A_289 = vector.shape_cast %swap3A_288 : vector<1x256x32xbf16> to vector<256x32xbf16>
    %swap3A_290 = vector.shape_cast %convert_element_type3A_284 : vector<256x32xbf16> to vector<1x256x32xbf16>
    tpu.vector_store %arg7[%swap3A_285, %swap3A_286, %swap3A_287], %swap3A_290 {strides = array<i32>} : memref<12x256x64xbf16, #tpu.memory_space<vmem>>, vector<1x256x32xbf16>,
    %slice3A_291 = vector.extract_strided_slice %min3A_34 {offsets = [0, 576], sizes = [256, 32], strides = [1, 1]} : vector<256x1280xf32> to vector<256x32xf32>
    %slice3A_292 = vector.extract_strided_slice %min3A_34 {offsets = [0, 608], sizes = [256, 32], strides = [1, 1]} : vector<256x1280xf32> to vector<256x32xf32>
    %mul3A_293 = arith.mulf %slice3A_291, %get3A_37 : vector<256x32xf32>
    %mul3A_294 = arith.mulf %slice3A_292, %get3A_40 : vector<256x32xf32>
    %sub3A_295 = arith.subf %mul3A_293, %mul3A_294 : vector<256x32xf32>
    %mul3A_296 = arith.constant 1.250000e-01 : f32
    %mul3A_297 = vector.broadcast %mul3A_296 : f32 to vector<256x32xf32>
    %mul3A_298 = arith.mulf %sub3A_295, %mul3A_297 : vector<256x32xf32>
    %convert_element_type3A_299 = arith.truncf %mul3A_298 : vector<256x32xf32> to vector<256x32xbf16>
    %swap3A_300 = arith.constant 9 : index
    %swap3A_301 = arith.constant 0 : index
    %swap3A_302 = arith.constant 0 : index
    %swap3A_303 = vector.load %arg7[%swap3A_300, %swap3A_301, %swap3A_302] : memref<12x256x64xbf16, #tpu.memory_space<vmem>>, vector<1x256x32xbf16>
    %swap3A_304 = vector.shape_cast %swap3A_303 : vector<1x256x32xbf16> to vector<256x32xbf16>
    %swap3A_305 = vector.shape_cast %convert_element_type3A_299 : vector<256x32xbf16> to vector<1x256x32xbf16>
    tpu.vector_store %arg7[%swap3A_300, %swap3A_301, %swap3A_302], %swap3A_305 {strides = array<i32>} : memref<12x256x64xbf16, #tpu.memory_space<vmem>>, vector<1x256x32xbf16>,
    %mul3A_306 = arith.mulf %slice3A_291, %get3A_40 : vector<256x32xf32>
    %mul3A_307 = arith.mulf %slice3A_292, %get3A_37 : vector<256x32xf32>
    %add3A_308 = arith.addf %mul3A_306, %mul3A_307 : vector<256x32xf32>
    %mul3A_309 = arith.constant 1.250000e-01 : f32
    %mul3A_310 = vector.broadcast %mul3A_309 : f32 to vector<256x32xf32>
    %mul3A_311 = arith.mulf %add3A_308, %mul3A_310 : vector<256x32xf32>
    %convert_element_type3A_312 = arith.truncf %mul3A_311 : vector<256x32xf32> to vector<256x32xbf16>
    %swap3A_313 = arith.constant 9 : index
    %swap3A_314 = arith.constant 0 : index
    %swap3A_315 = arith.constant 32 : index
    %swap3A_316 = vector.load %arg7[%swap3A_313, %swap3A_314, %swap3A_315] : memref<12x256x64xbf16, #tpu.memory_space<vmem>>, vector<1x256x32xbf16>
    %swap3A_317 = vector.shape_cast %swap3A_316 : vector<1x256x32xbf16> to vector<256x32xbf16>
    %swap3A_318 = vector.shape_cast %convert_element_type3A_312 : vector<256x32xbf16> to vector<1x256x32xbf16>
    tpu.vector_store %arg7[%swap3A_313, %swap3A_314, %swap3A_315], %swap3A_318 {strides = array<i32>} : memref<12x256x64xbf16, #tpu.memory_space<vmem>>, vector<1x256x32xbf16>,
    %slice3A_319 = vector.extract_strided_slice %min3A_34 {offsets = [0, 640], sizes = [256, 32], strides = [1, 1]} : vector<256x1280xf32> to vector<256x32xf32>
    %slice3A_320 = vector.extract_strided_slice %min3A_34 {offsets = [0, 672], sizes = [256, 32], strides = [1, 1]} : vector<256x1280xf32> to vector<256x32xf32>
    %mul3A_321 = arith.mulf %slice3A_319, %get3A_37 : vector<256x32xf32>
    %mul3A_322 = arith.mulf %slice3A_320, %get3A_40 : vector<256x32xf32>
    %sub3A_323 = arith.subf %mul3A_321, %mul3A_322 : vector<256x32xf32>
    %mul3A_324 = arith.constant 1.250000e-01 : f32
    %mul3A_325 = vector.broadcast %mul3A_324 : f32 to vector<256x32xf32>
    %mul3A_326 = arith.mulf %sub3A_323, %mul3A_325 : vector<256x32xf32>
    %convert_element_type3A_327 = arith.truncf %mul3A_326 : vector<256x32xf32> to vector<256x32xbf16>
    %swap3A_328 = arith.constant 10 : index
    %swap3A_329 = arith.constant 0 : index
    %swap3A_330 = arith.constant 0 : index
    %swap3A_331 = vector.load %arg7[%swap3A_328, %swap3A_329, %swap3A_330] : memref<12x256x64xbf16, #tpu.memory_space<vmem>>, vector<1x256x32xbf16>
    %swap3A_332 = vector.shape_cast %swap3A_331 : vector<1x256x32xbf16> to vector<256x32xbf16>
    %swap3A_333 = vector.shape_cast %convert_element_type3A_327 : vector<256x32xbf16> to vector<1x256x32xbf16>
    tpu.vector_store %arg7[%swap3A_328, %swap3A_329, %swap3A_330], %swap3A_333 {strides = array<i32>} : memref<12x256x64xbf16, #tpu.memory_space<vmem>>, vector<1x256x32xbf16>,
    %mul3A_334 = arith.mulf %slice3A_319, %get3A_40 : vector<256x32xf32>
    %mul3A_335 = arith.mulf %slice3A_320, %get3A_37 : vector<256x32xf32>
    %add3A_336 = arith.addf %mul3A_334, %mul3A_335 : vector<256x32xf32>
    %mul3A_337 = arith.constant 1.250000e-01 : f32
    %mul3A_338 = vector.broadcast %mul3A_337 : f32 to vector<256x32xf32>
    %mul3A_339 = arith.mulf %add3A_336, %mul3A_338 : vector<256x32xf32>
    %convert_element_type3A_340 = arith.truncf %mul3A_339 : vector<256x32xf32> to vector<256x32xbf16>
    %swap3A_341 = arith.constant 10 : index
    %swap3A_342 = arith.constant 0 : index
    %swap3A_343 = arith.constant 32 : index
    %swap3A_344 = vector.load %arg7[%swap3A_341, %swap3A_342, %swap3A_343] : memref<12x256x64xbf16, #tpu.memory_space<vmem>>, vector<1x256x32xbf16>
    %swap3A_345 = vector.shape_cast %swap3A_344 : vector<1x256x32xbf16> to vector<256x32xbf16>
    %swap3A_346 = vector.shape_cast %convert_element_type3A_340 : vector<256x32xbf16> to vector<1x256x32xbf16>
    tpu.vector_store %arg7[%swap3A_341, %swap3A_342, %swap3A_343], %swap3A_346 {strides = array<i32>} : memref<12x256x64xbf16, #tpu.memory_space<vmem>>, vector<1x256x32xbf16>,
    %slice3A_347 = vector.extract_strided_slice %min3A_34 {offsets = [0, 704], sizes = [256, 32], strides = [1, 1]} : vector<256x1280xf32> to vector<256x32xf32>
    %slice3A_348 = vector.extract_strided_slice %min3A_34 {offsets = [0, 736], sizes = [256, 32], strides = [1, 1]} : vector<256x1280xf32> to vector<256x32xf32>
    %mul3A_349 = arith.mulf %slice3A_347, %get3A_37 : vector<256x32xf32>
    %mul3A_350 = arith.mulf %slice3A_348, %get3A_40 : vector<256x32xf32>
    %sub3A_351 = arith.subf %mul3A_349, %mul3A_350 : vector<256x32xf32>
    %mul3A_352 = arith.constant 1.250000e-01 : f32
    %mul3A_353 = vector.broadcast %mul3A_352 : f32 to vector<256x32xf32>
    %mul3A_354 = arith.mulf %sub3A_351, %mul3A_353 : vector<256x32xf32>
    %convert_element_type3A_355 = arith.truncf %mul3A_354 : vector<256x32xf32> to vector<256x32xbf16>
    %swap3A_356 = arith.constant 11 : index
    %swap3A_357 = arith.constant 0 : index
    %swap3A_358 = arith.constant 0 : index
    %swap3A_359 = vector.load %arg7[%swap3A_356, %swap3A_357, %swap3A_358] : memref<12x256x64xbf16, #tpu.memory_space<vmem>>, vector<1x256x32xbf16>
    %swap3A_360 = vector.shape_cast %swap3A_359 : vector<1x256x32xbf16> to vector<256x32xbf16>
    %swap3A_361 = vector.shape_cast %convert_element_type3A_355 : vector<256x32xbf16> to vector<1x256x32xbf16>
    tpu.vector_store %arg7[%swap3A_356, %swap3A_357, %swap3A_358], %swap3A_361 {strides = array<i32>} : memref<12x256x64xbf16, #tpu.memory_space<vmem>>, vector<1x256x32xbf16>,
    %mul3A_362 = arith.mulf %slice3A_347, %get3A_40 : vector<256x32xf32>
    %mul3A_363 = arith.mulf %slice3A_348, %get3A_37 : vector<256x32xf32>
    %add3A_364 = arith.addf %mul3A_362, %mul3A_363 : vector<256x32xf32>
    %mul3A_365 = arith.constant 1.250000e-01 : f32
    %mul3A_366 = vector.broadcast %mul3A_365 : f32 to vector<256x32xf32>
    %mul3A_367 = arith.mulf %add3A_364, %mul3A_366 : vector<256x32xf32>
    %convert_element_type3A_368 = arith.truncf %mul3A_367 : vector<256x32xf32> to vector<256x32xbf16>
    %swap3A_369 = arith.constant 11 : index
    %swap3A_370 = arith.constant 0 : index
    %swap3A_371 = arith.constant 32 : index
    %swap3A_372 = vector.load %arg7[%swap3A_369, %swap3A_370, %swap3A_371] : memref<12x256x64xbf16, #tpu.memory_space<vmem>>, vector<1x256x32xbf16>
    %swap3A_373 = vector.shape_cast %swap3A_372 : vector<1x256x32xbf16> to vector<256x32xbf16>
    %swap3A_374 = vector.shape_cast %convert_element_type3A_368 : vector<256x32xbf16> to vector<1x256x32xbf16>
    tpu.vector_store %arg7[%swap3A_369, %swap3A_370, %swap3A_371], %swap3A_374 {strides = array<i32>} : memref<12x256x64xbf16, #tpu.memory_space<vmem>>, vector<1x256x32xbf16>,
    %slice3A_375 = vector.extract_strided_slice %min3A_34 {offsets = [0, 768], sizes = [256, 32], strides = [1, 1]} : vector<256x1280xf32> to vector<256x32xf32>
    %slice3A_376 = vector.extract_strided_slice %min3A_34 {offsets = [0, 800], sizes = [256, 32], strides = [1, 1]} : vector<256x1280xf32> to vector<256x32xf32>
    %mul3A_377 = arith.mulf %slice3A_375, %get3A_37 : vector<256x32xf32>
    %mul3A_378 = arith.mulf %slice3A_376, %get3A_40 : vector<256x32xf32>
    %sub3A_379 = arith.subf %mul3A_377, %mul3A_378 : vector<256x32xf32>
    %convert_element_type3A_380 = arith.truncf %sub3A_379 : vector<256x32xf32> to vector<256x32xbf16>
    %swap3A_381 = arith.constant 0 : index
    %swap3A_382 = arith.constant 0 : index
    %swap3A_383 = arith.constant 0 : index
    %swap3A_384 = vector.load %arg8[%swap3A_381, %swap3A_382, %swap3A_383] : memref<4x256x64xbf16, #tpu.memory_space<vmem>>, vector<1x256x32xbf16>
    %swap3A_385 = vector.shape_cast %swap3A_384 : vector<1x256x32xbf16> to vector<256x32xbf16>
    %swap3A_386 = vector.shape_cast %convert_element_type3A_380 : vector<256x32xbf16> to vector<1x256x32xbf16>
    tpu.vector_store %arg8[%swap3A_381, %swap3A_382, %swap3A_383], %swap3A_386 {strides = array<i32>} : memref<4x256x64xbf16, #tpu.memory_space<vmem>>, vector<1x256x32xbf16>,
    %mul3A_387 = arith.mulf %slice3A_375, %get3A_40 : vector<256x32xf32>
    %mul3A_388 = arith.mulf %slice3A_376, %get3A_37 : vector<256x32xf32>
    %add3A_389 = arith.addf %mul3A_387, %mul3A_388 : vector<256x32xf32>
    %convert_element_type3A_390 = arith.truncf %add3A_389 : vector<256x32xf32> to vector<256x32xbf16>
    %swap3A_391 = arith.constant 0 : index
    %swap3A_392 = arith.constant 0 : index
    %swap3A_393 = arith.constant 32 : index
    %swap3A_394 = vector.load %arg8[%swap3A_391, %swap3A_392, %swap3A_393] : memref<4x256x64xbf16, #tpu.memory_space<vmem>>, vector<1x256x32xbf16>
    %swap3A_395 = vector.shape_cast %swap3A_394 : vector<1x256x32xbf16> to vector<256x32xbf16>
    %swap3A_396 = vector.shape_cast %convert_element_type3A_390 : vector<256x32xbf16> to vector<1x256x32xbf16>
    tpu.vector_store %arg8[%swap3A_391, %swap3A_392, %swap3A_393], %swap3A_396 {strides = array<i32>} : memref<4x256x64xbf16, #tpu.memory_space<vmem>>, vector<1x256x32xbf16>,
    %slice3A_397 = vector.extract_strided_slice %min3A_34 {offsets = [0, 1024], sizes = [256, 64], strides = [1, 1]} : vector<256x1280xf32> to vector<256x64xf32>
    %convert_element_type3A_398 = arith.truncf %slice3A_397 : vector<256x64xf32> to vector<256x64xbf16>
    %swap3A_399 = arith.constant 0 : index
    %swap3A_400 = arith.constant 0 : index
    %swap3A_401 = arith.constant 0 : index
    %swap3A_402 = vector.load %arg9[%swap3A_399, %swap3A_400, %swap3A_401] : memref<4x256x64xbf16, #tpu.memory_space<vmem>>, vector<1x256x64xbf16>
    %swap3A_403 = vector.shape_cast %swap3A_402 : vector<1x256x64xbf16> to vector<256x64xbf16>
    %swap3A_404 = vector.shape_cast %convert_element_type3A_398 : vector<256x64xbf16> to vector<1x256x64xbf16>
    tpu.vector_store %arg9[%swap3A_399, %swap3A_400, %swap3A_401], %swap3A_404 {strides = array<i32>} : memref<4x256x64xbf16, #tpu.memory_space<vmem>>, vector<1x256x64xbf16>,
    %slice3A_405 = vector.extract_strided_slice %min3A_34 {offsets = [0, 832], sizes = [256, 32], strides = [1, 1]} : vector<256x1280xf32> to vector<256x32xf32>
    %slice3A_406 = vector.extract_strided_slice %min3A_34 {offsets = [0, 864], sizes = [256, 32], strides = [1, 1]} : vector<256x1280xf32> to vector<256x32xf32>
    %mul3A_407 = arith.mulf %slice3A_405, %get3A_37 : vector<256x32xf32>
    %mul3A_408 = arith.mulf %slice3A_406, %get3A_40 : vector<256x32xf32>
    %sub3A_409 = arith.subf %mul3A_407, %mul3A_408 : vector<256x32xf32>
    %convert_element_type3A_410 = arith.truncf %sub3A_409 : vector<256x32xf32> to vector<256x32xbf16>
    %swap3A_411 = arith.constant 1 : index
    %swap3A_412 = arith.constant 0 : index
    %swap3A_413 = arith.constant 0 : index
    %swap3A_414 = vector.load %arg8[%swap3A_411, %swap3A_412, %swap3A_413] : memref<4x256x64xbf16, #tpu.memory_space<vmem>>, vector<1x256x32xbf16>
    %swap3A_415 = vector.shape_cast %swap3A_414 : vector<1x256x32xbf16> to vector<256x32xbf16>
    %swap3A_416 = vector.shape_cast %convert_element_type3A_410 : vector<256x32xbf16> to vector<1x256x32xbf16>
    tpu.vector_store %arg8[%swap3A_411, %swap3A_412, %swap3A_413], %swap3A_416 {strides = array<i32>} : memref<4x256x64xbf16, #tpu.memory_space<vmem>>, vector<1x256x32xbf16>,
    %mul3A_417 = arith.mulf %slice3A_405, %get3A_40 : vector<256x32xf32>
    %mul3A_418 = arith.mulf %slice3A_406, %get3A_37 : vector<256x32xf32>
    %add3A_419 = arith.addf %mul3A_417, %mul3A_418 : vector<256x32xf32>
    %convert_element_type3A_420 = arith.truncf %add3A_419 : vector<256x32xf32> to vector<256x32xbf16>
    %swap3A_421 = arith.constant 1 : index
    %swap3A_422 = arith.constant 0 : index
    %swap3A_423 = arith.constant 32 : index
    %swap3A_424 = vector.load %arg8[%swap3A_421, %swap3A_422, %swap3A_423] : memref<4x256x64xbf16, #tpu.memory_space<vmem>>, vector<1x256x32xbf16>
    %swap3A_425 = vector.shape_cast %swap3A_424 : vector<1x256x32xbf16> to vector<256x32xbf16>
    %swap3A_426 = vector.shape_cast %convert_element_type3A_420 : vector<256x32xbf16> to vector<1x256x32xbf16>
    tpu.vector_store %arg8[%swap3A_421, %swap3A_422, %swap3A_423], %swap3A_426 {strides = array<i32>} : memref<4x256x64xbf16, #tpu.memory_space<vmem>>, vector<1x256x32xbf16>,
    %slice3A_427 = vector.extract_strided_slice %min3A_34 {offsets = [0, 1088], sizes = [256, 64], strides = [1, 1]} : vector<256x1280xf32> to vector<256x64xf32>
    %convert_element_type3A_428 = arith.truncf %slice3A_427 : vector<256x64xf32> to vector<256x64xbf16>
    %swap3A_429 = arith.constant 1 : index
    %swap3A_430 = arith.constant 0 : index
    %swap3A_431 = arith.constant 0 : index
    %swap3A_432 = vector.load %arg9[%swap3A_429, %swap3A_430, %swap3A_431] : memref<4x256x64xbf16, #tpu.memory_space<vmem>>, vector<1x256x64xbf16>
    %swap3A_433 = vector.shape_cast %swap3A_432 : vector<1x256x64xbf16> to vector<256x64xbf16>
    %swap3A_434 = vector.shape_cast %convert_element_type3A_428 : vector<256x64xbf16> to vector<1x256x64xbf16>
    tpu.vector_store %arg9[%swap3A_429, %swap3A_430, %swap3A_431], %swap3A_434 {strides = array<i32>} : memref<4x256x64xbf16, #tpu.memory_space<vmem>>, vector<1x256x64xbf16>,
    %slice3A_435 = vector.extract_strided_slice %min3A_34 {offsets = [0, 896], sizes = [256, 32], strides = [1, 1]} : vector<256x1280xf32> to vector<256x32xf32>
    %slice3A_436 = vector.extract_strided_slice %min3A_34 {offsets = [0, 928], sizes = [256, 32], strides = [1, 1]} : vector<256x1280xf32> to vector<256x32xf32>
    %mul3A_437 = arith.mulf %slice3A_435, %get3A_37 : vector<256x32xf32>
    %mul3A_438 = arith.mulf %slice3A_436, %get3A_40 : vector<256x32xf32>
    %sub3A_439 = arith.subf %mul3A_437, %mul3A_438 : vector<256x32xf32>
    %convert_element_type3A_440 = arith.truncf %sub3A_439 : vector<256x32xf32> to vector<256x32xbf16>
    %swap3A_441 = arith.constant 2 : index
    %swap3A_442 = arith.constant 0 : index
    %swap3A_443 = arith.constant 0 : index
    %swap3A_444 = vector.load %arg8[%swap3A_441, %swap3A_442, %swap3A_443] : memref<4x256x64xbf16, #tpu.memory_space<vmem>>, vector<1x256x32xbf16>
    %swap3A_445 = vector.shape_cast %swap3A_444 : vector<1x256x32xbf16> to vector<256x32xbf16>
    %swap3A_446 = vector.shape_cast %convert_element_type3A_440 : vector<256x32xbf16> to vector<1x256x32xbf16>
    tpu.vector_store %arg8[%swap3A_441, %swap3A_442, %swap3A_443], %swap3A_446 {strides = array<i32>} : memref<4x256x64xbf16, #tpu.memory_space<vmem>>, vector<1x256x32xbf16>,
    %mul3A_447 = arith.mulf %slice3A_435, %get3A_40 : vector<256x32xf32>
    %mul3A_448 = arith.mulf %slice3A_436, %get3A_37 : vector<256x32xf32>
    %add3A_449 = arith.addf %mul3A_447, %mul3A_448 : vector<256x32xf32>
    %convert_element_type3A_450 = arith.truncf %add3A_449 : vector<256x32xf32> to vector<256x32xbf16>
    %swap3A_451 = arith.constant 2 : index
    %swap3A_452 = arith.constant 0 : index
    %swap3A_453 = arith.constant 32 : index
    %swap3A_454 = vector.load %arg8[%swap3A_451, %swap3A_452, %swap3A_453] : memref<4x256x64xbf16, #tpu.memory_space<vmem>>, vector<1x256x32xbf16>
    %swap3A_455 = vector.shape_cast %swap3A_454 : vector<1x256x32xbf16> to vector<256x32xbf16>
    %swap3A_456 = vector.shape_cast %convert_element_type3A_450 : vector<256x32xbf16> to vector<1x256x32xbf16>
    tpu.vector_store %arg8[%swap3A_451, %swap3A_452, %swap3A_453], %swap3A_456 {strides = array<i32>} : memref<4x256x64xbf16, #tpu.memory_space<vmem>>, vector<1x256x32xbf16>,
    %slice3A_457 = vector.extract_strided_slice %min3A_34 {offsets = [0, 1152], sizes = [256, 64], strides = [1, 1]} : vector<256x1280xf32> to vector<256x64xf32>
    %convert_element_type3A_458 = arith.truncf %slice3A_457 : vector<256x64xf32> to vector<256x64xbf16>
    %swap3A_459 = arith.constant 2 : index
    %swap3A_460 = arith.constant 0 : index
    %swap3A_461 = arith.constant 0 : index
    %swap3A_462 = vector.load %arg9[%swap3A_459, %swap3A_460, %swap3A_461] : memref<4x256x64xbf16, #tpu.memory_space<vmem>>, vector<1x256x64xbf16>
    %swap3A_463 = vector.shape_cast %swap3A_462 : vector<1x256x64xbf16> to vector<256x64xbf16>
    %swap3A_464 = vector.shape_cast %convert_element_type3A_458 : vector<256x64xbf16> to vector<1x256x64xbf16>
    tpu.vector_store %arg9[%swap3A_459, %swap3A_460, %swap3A_461], %swap3A_464 {strides = array<i32>} : memref<4x256x64xbf16, #tpu.memory_space<vmem>>, vector<1x256x64xbf16>,
    %slice3A_465 = vector.extract_strided_slice %min3A_34 {offsets = [0, 960], sizes = [256, 32], strides = [1, 1]} : vector<256x1280xf32> to vector<256x32xf32>
    %slice3A_466 = vector.extract_strided_slice %min3A_34 {offsets = [0, 992], sizes = [256, 32], strides = [1, 1]} : vector<256x1280xf32> to vector<256x32xf32>
    %mul3A_467 = arith.mulf %slice3A_465, %get3A_37 : vector<256x32xf32>
    %mul3A_468 = arith.mulf %slice3A_466, %get3A_40 : vector<256x32xf32>
    %sub3A_469 = arith.subf %mul3A_467, %mul3A_468 : vector<256x32xf32>
    %convert_element_type3A_470 = arith.truncf %sub3A_469 : vector<256x32xf32> to vector<256x32xbf16>
    %swap3A_471 = arith.constant 3 : index
    %swap3A_472 = arith.constant 0 : index
    %swap3A_473 = arith.constant 0 : index
    %swap3A_474 = vector.load %arg8[%swap3A_471, %swap3A_472, %swap3A_473] : memref<4x256x64xbf16, #tpu.memory_space<vmem>>, vector<1x256x32xbf16>
    %swap3A_475 = vector.shape_cast %swap3A_474 : vector<1x256x32xbf16> to vector<256x32xbf16>
    %swap3A_476 = vector.shape_cast %convert_element_type3A_470 : vector<256x32xbf16> to vector<1x256x32xbf16>
    tpu.vector_store %arg8[%swap3A_471, %swap3A_472, %swap3A_473], %swap3A_476 {strides = array<i32>} : memref<4x256x64xbf16, #tpu.memory_space<vmem>>, vector<1x256x32xbf16>,
    %mul3A_477 = arith.mulf %slice3A_465, %get3A_40 : vector<256x32xf32>
    %mul3A_478 = arith.mulf %slice3A_466, %get3A_37 : vector<256x32xf32>
    %add3A_479 = arith.addf %mul3A_477, %mul3A_478 : vector<256x32xf32>
    %convert_element_type3A_480 = arith.truncf %add3A_479 : vector<256x32xf32> to vector<256x32xbf16>
    %swap3A_481 = arith.constant 3 : index
    %swap3A_482 = arith.constant 0 : index
    %swap3A_483 = arith.constant 32 : index
    %swap3A_484 = vector.load %arg8[%swap3A_481, %swap3A_482, %swap3A_483] : memref<4x256x64xbf16, #tpu.memory_space<vmem>>, vector<1x256x32xbf16>
    %swap3A_485 = vector.shape_cast %swap3A_484 : vector<1x256x32xbf16> to vector<256x32xbf16>
    %swap3A_486 = vector.shape_cast %convert_element_type3A_480 : vector<256x32xbf16> to vector<1x256x32xbf16>
    tpu.vector_store %arg8[%swap3A_481, %swap3A_482, %swap3A_483], %swap3A_486 {strides = array<i32>} : memref<4x256x64xbf16, #tpu.memory_space<vmem>>, vector<1x256x32xbf16>,
    %slice3A_487 = vector.extract_strided_slice %min3A_34 {offsets = [0, 1216], sizes = [256, 64], strides = [1, 1]} : vector<256x1280xf32> to vector<256x64xf32>
    %convert_element_type3A_488 = arith.truncf %slice3A_487 : vector<256x64xf32> to vector<256x64xbf16>
    %swap3A_489 = arith.constant 3 : index
    %swap3A_490 = arith.constant 0 : index
    %swap3A_491 = arith.constant 0 : index
    %swap3A_492 = vector.load %arg9[%swap3A_489, %swap3A_490, %swap3A_491] : memref<4x256x64xbf16, #tpu.memory_space<vmem>>, vector<1x256x64xbf16>
    %swap3A_493 = vector.shape_cast %swap3A_492 : vector<1x256x64xbf16> to vector<256x64xbf16>
    %swap3A_494 = vector.shape_cast %convert_element_type3A_488 : vector<256x64xbf16> to vector<1x256x64xbf16>
    tpu.vector_store %arg9[%swap3A_489, %swap3A_490, %swap3A_491], %swap3A_494 {strides = array<i32>} : memref<4x256x64xbf16, #tpu.memory_space<vmem>>, vector<1x256x64xbf16>,
    return
  }
  func.func @transform_0(%arg0: i32) -> (i32, i32) {
    %c0_i32 = arith.constant 0 : i32
    %c0_i32_0 = arith.constant 0 : i32
    return %arg0, %c0_i32 : i32, i32
  }
  func.func @transform_1(%arg0: i32) -> i32 {
    %c0_i32 = arith.constant 0 : i32
    %c0_i32_0 = arith.constant 0 : i32
    return %c0_i32 : i32
  }
  func.func @transform_2(%arg0: i32) -> i32 {
    %c0_i32 = arith.constant 0 : i32
    %c0_i32_0 = arith.constant 0 : i32
    return %c0_i32 : i32
  }
  func.func @transform_3(%arg0: i32) -> (i32, i32) {
    %c0_i32 = arith.constant 0 : i32
    %c0_i32_0 = arith.constant 0 : i32
    %c0_i32_1 = arith.constant 0 : i32
    return %c0_i32, %c0_i32_0 : i32, i32
  }
  func.func @transform_4(%arg0: i32) -> (i32, i32) {
    %c0_i32 = arith.constant 0 : i32
    %c0_i32_0 = arith.constant 0 : i32
    return %arg0, %c0_i32 : i32, i32
  }
  func.func @transform_5(%arg0: i32) -> (i32, i32) {
    %c0_i32 = arith.constant 0 : i32
    %c0_i32_0 = arith.constant 0 : i32
    return %arg0, %c0_i32 : i32, i32
  }
  func.func @transform_6(%arg0: i32) -> (i32, i32, i32) {
    %c0_i32 = arith.constant 0 : i32
    %c0_i32_0 = arith.constant 0 : i32
    %c0_i32_1 = arith.constant 0 : i32
    return %c0_i32, %arg0, %c0_i32_0 : i32, i32, i32
  }
  func.func @transform_7(%arg0: i32) -> (i32, i32, i32) {
    %c0_i32 = arith.constant 0 : i32
    %c0_i32_0 = arith.constant 0 : i32
    %c0_i32_1 = arith.constant 0 : i32
    return %c0_i32, %arg0, %c0_i32_0 : i32, i32, i32
  }
  func.func @transform_8(%arg0: i32) -> (i32, i32, i32) {
    %c0_i32 = arith.constant 0 : i32
    %c0_i32_0 = arith.constant 0 : i32
    %c0_i32_1 = arith.constant 0 : i32
    return %c0_i32, %arg0, %c0_i32_0 : i32, i32, i32
  }
}

module attributes {stable_mosaic.version = 14 : i64} {
  func.func @_k2_body(%arg0: i32, %arg1: i32, %arg2: memref<1x512x64xbf16, #tpu.memory_space<vmem>>, %arg3: memref<1x2048x64xbf16, #tpu.memory_space<vmem>>, %arg4: memref<1x2048x64xbf16, #tpu.memory_space<vmem>>, %arg5: memref<1x512x64xf32, #tpu.memory_space<vmem>>) attributes {dimension_semantics = [#tpu.dimension_semantics<arbitrary>, #tpu.dimension_semantics<arbitrary>], iteration_bounds = array<i64: 12, 4>, scalar_prefetch = 0 : i64, scratch_operands = 0 : i64, tpu.core_type = #tpu.core_type<tc>, window_params = [{transform_indices = @transform_0, window_bounds = array<i64: 1, 512, 64>}, {transform_indices = @transform_1, window_bounds = array<i64: 1, 2048, 64>}, {transform_indices = @transform_2, window_bounds = array<i64: 1, 2048, 64>}, {transform_indices = @transform_3, window_bounds = array<i64: 1, 512, 64>}]} {
    %get3A = arith.constant 0 : index
    %get3A_0 = arith.constant 0 : index
    %get3A_1 = arith.constant 0 : index
    %get3A_2 = vector.load %arg2[%get3A, %get3A_0, %get3A_1] : memref<1x512x64xbf16, #tpu.memory_space<vmem>>, vector<1x512x64xbf16>
    %get3A_3 = vector.shape_cast %get3A_2 : vector<1x512x64xbf16> to vector<512x64xbf16>
    %broadcast_in_dim3A = arith.constant -1.000000e+30 : f32
    %broadcast_in_dim3A_4 = vector.broadcast %broadcast_in_dim3A : f32 to vector<512x1xf32>
    %broadcast_in_dim3A_5 = arith.constant 0.000000e+00 : f32
    %broadcast_in_dim3A_6 = vector.broadcast %broadcast_in_dim3A_5 : f32 to vector<512x1xf32>
    %broadcast_in_dim3A_7 = arith.constant 0.000000e+00 : f32
    %broadcast_in_dim3A_8 = vector.broadcast %broadcast_in_dim3A_7 : f32 to vector<512x64xf32>
    %while3A = arith.constant 0 : i32
    %while3A_9 = arith.subi %arg1, %while3A : i32
    %while3A_10 = arith.addi %while3A, %while3A_9 : i32
    %while3A_11 = arith.constant 1 : i32
    %while3A_12 = arith.divsi %while3A_9, %while3A_11 : i32
    %while3A_13 = arith.muli %while3A_12, %while3A_11 : i32
    %while3A_14 = arith.addi %while3A, %while3A_13 : i32
    %while3A_15 = arith.constant 1 : i32
    %while3A_16:3 = scf.for %while3A_54 = %while3A to %while3A_14 step %while3A_15 iter_args(%while3A_55 = %broadcast_in_dim3A_4, %while3A_56 = %broadcast_in_dim3A_6, %while3A_57 = %broadcast_in_dim3A_8) -> (vector<512x1xf32>, vector<512x1xf32>, vector<512x64xf32>)  : i32 {
      %mul3A_58 = arith.constant 512 : i32
      %mul3A_59 = arith.muli %while3A_54, %mul3A_58 : i32
      %get3A_60 = arith.constant 0 : index
      %get3A_61 = arith.index_cast %mul3A_59 : i32 to index
      %get3A_62 = arith.constant 0 : index
      %get3A_63 = vector.load %arg3[%get3A_60, %get3A_61, %get3A_62] : memref<1x2048x64xbf16, #tpu.memory_space<vmem>>, vector<1x512x64xbf16>
      %get3A_64 = vector.shape_cast %get3A_63 : vector<1x512x64xbf16> to vector<512x64xbf16>
      %dot_general3A_65 = arith.constant dense<0.000000e+00> : vector<512x512xf32>
      %dot_general3A_66 = tpu.matmul %get3A_3, %get3A_64, %dot_general3A_65 {dimension_numbers = #tpu.dot_dimension_numbers<[1], [1], [0], [0], [0, 0, 1, 0], [], []>, transpose_lhs_hint = false} : vector<512x64xbf16>, vector<512x64xbf16>, vector<512x512xf32> -> vector<512x512xf32>
      %reduce_max3A_67 = arith.constant dense<0xFF800000> : vector<512xf32>
      %reduce_max3A_68 = vector.multi_reduction <maximumf>, %dot_general3A_66, %reduce_max3A_67 [1] : vector<512x512xf32> to vector<512xf32>
      %broadcast_in_dim3A_69 = vector.shape_cast %reduce_max3A_68 : vector<512xf32> to vector<512x1xf32>
      %max3A_70 = arith.maximumf %while3A_55, %broadcast_in_dim3A_69 : vector<512x1xf32>
      %sub3A_71 = vector.broadcast %max3A_70 : vector<512x1xf32> to vector<512x512xf32>
      %sub3A_72 = arith.subf %dot_general3A_66, %sub3A_71 : vector<512x512xf32>
      %exp3A_73 = math.exp %sub3A_72 : vector<512x512xf32>
      %sub3A_74 = arith.subf %while3A_55, %max3A_70 : vector<512x1xf32>
      %exp3A_75 = math.exp %sub3A_74 : vector<512x1xf32>
      %mul3A_76 = arith.mulf %while3A_56, %exp3A_75 : vector<512x1xf32>
      %reduce_sum3A_77 = arith.constant dense<0.000000e+00> : vector<512xf32>
      %reduce_sum3A_78 = vector.multi_reduction <add>, %exp3A_73, %reduce_sum3A_77 [1] : vector<512x512xf32> to vector<512xf32>
      %broadcast_in_dim3A_79 = vector.shape_cast %reduce_sum3A_78 : vector<512xf32> to vector<512x1xf32>
      %add3A_80 = arith.addf %mul3A_76, %broadcast_in_dim3A_79 : vector<512x1xf32>
      %mul3A_81 = arith.constant 512 : i32
      %mul3A_82 = arith.muli %while3A_54, %mul3A_81 : i32
      %get3A_83 = arith.constant 0 : index
      %get3A_84 = arith.index_cast %mul3A_82 : i32 to index
      %get3A_85 = arith.constant 0 : index
      %get3A_86 = vector.load %arg4[%get3A_83, %get3A_84, %get3A_85] : memref<1x2048x64xbf16, #tpu.memory_space<vmem>>, vector<1x512x64xbf16>
      %get3A_87 = vector.shape_cast %get3A_86 : vector<1x512x64xbf16> to vector<512x64xbf16>
      %mul3A_88 = vector.broadcast %exp3A_75 : vector<512x1xf32> to vector<512x64xf32>
      %mul3A_89 = arith.mulf %while3A_57, %mul3A_88 : vector<512x64xf32>
      %convert_element_type3A_90 = arith.truncf %exp3A_73 : vector<512x512xf32> to vector<512x512xbf16>
      %dot_general3A_91 = arith.constant dense<0.000000e+00> : vector<512x64xf32>
      %dot_general3A_92 = tpu.matmul %convert_element_type3A_90, %get3A_87, %dot_general3A_91 {dimension_numbers = #tpu.dot_dimension_numbers<[1], [0], [0], [1], [0, 0, 1, 1], [], []>, transpose_lhs_hint = false} : vector<512x512xbf16>, vector<512x64xbf16>, vector<512x64xf32> -> vector<512x64xf32>
      %add3A_93 = arith.addf %mul3A_89, %dot_general3A_92 : vector<512x64xf32>
      scf.yield %max3A_70, %add3A_80, %add3A_93 : vector<512x1xf32>, vector<512x1xf32>, vector<512x64xf32>
    }
    %while3A_17 = arith.constant 1 : i32
    %while3A_18:3 = scf.for %while3A_54 = %while3A_14 to %while3A_10 step %while3A_17 iter_args(%while3A_55 = %while3A_16#0, %while3A_56 = %while3A_16#1, %while3A_57 = %while3A_16#2) -> (vector<512x1xf32>, vector<512x1xf32>, vector<512x64xf32>)  : i32 {
      %mul3A_58 = arith.constant 512 : i32
      %mul3A_59 = arith.muli %while3A_54, %mul3A_58 : i32
      %get3A_60 = arith.constant 0 : index
      %get3A_61 = arith.index_cast %mul3A_59 : i32 to index
      %get3A_62 = arith.constant 0 : index
      %get3A_63 = vector.load %arg3[%get3A_60, %get3A_61, %get3A_62] : memref<1x2048x64xbf16, #tpu.memory_space<vmem>>, vector<1x512x64xbf16>
      %get3A_64 = vector.shape_cast %get3A_63 : vector<1x512x64xbf16> to vector<512x64xbf16>
      %dot_general3A_65 = arith.constant dense<0.000000e+00> : vector<512x512xf32>
      %dot_general3A_66 = tpu.matmul %get3A_3, %get3A_64, %dot_general3A_65 {dimension_numbers = #tpu.dot_dimension_numbers<[1], [1], [0], [0], [0, 0, 1, 0], [], []>, transpose_lhs_hint = false} : vector<512x64xbf16>, vector<512x64xbf16>, vector<512x512xf32> -> vector<512x512xf32>
      %reduce_max3A_67 = arith.constant dense<0xFF800000> : vector<512xf32>
      %reduce_max3A_68 = vector.multi_reduction <maximumf>, %dot_general3A_66, %reduce_max3A_67 [1] : vector<512x512xf32> to vector<512xf32>
      %broadcast_in_dim3A_69 = vector.shape_cast %reduce_max3A_68 : vector<512xf32> to vector<512x1xf32>
      %max3A_70 = arith.maximumf %while3A_55, %broadcast_in_dim3A_69 : vector<512x1xf32>
      %sub3A_71 = vector.broadcast %max3A_70 : vector<512x1xf32> to vector<512x512xf32>
      %sub3A_72 = arith.subf %dot_general3A_66, %sub3A_71 : vector<512x512xf32>
      %exp3A_73 = math.exp %sub3A_72 : vector<512x512xf32>
      %sub3A_74 = arith.subf %while3A_55, %max3A_70 : vector<512x1xf32>
      %exp3A_75 = math.exp %sub3A_74 : vector<512x1xf32>
      %mul3A_76 = arith.mulf %while3A_56, %exp3A_75 : vector<512x1xf32>
      %reduce_sum3A_77 = arith.constant dense<0.000000e+00> : vector<512xf32>
      %reduce_sum3A_78 = vector.multi_reduction <add>, %exp3A_73, %reduce_sum3A_77 [1] : vector<512x512xf32> to vector<512xf32>
      %broadcast_in_dim3A_79 = vector.shape_cast %reduce_sum3A_78 : vector<512xf32> to vector<512x1xf32>
      %add3A_80 = arith.addf %mul3A_76, %broadcast_in_dim3A_79 : vector<512x1xf32>
      %mul3A_81 = arith.constant 512 : i32
      %mul3A_82 = arith.muli %while3A_54, %mul3A_81 : i32
      %get3A_83 = arith.constant 0 : index
      %get3A_84 = arith.index_cast %mul3A_82 : i32 to index
      %get3A_85 = arith.constant 0 : index
      %get3A_86 = vector.load %arg4[%get3A_83, %get3A_84, %get3A_85] : memref<1x2048x64xbf16, #tpu.memory_space<vmem>>, vector<1x512x64xbf16>
      %get3A_87 = vector.shape_cast %get3A_86 : vector<1x512x64xbf16> to vector<512x64xbf16>
      %mul3A_88 = vector.broadcast %exp3A_75 : vector<512x1xf32> to vector<512x64xf32>
      %mul3A_89 = arith.mulf %while3A_57, %mul3A_88 : vector<512x64xf32>
      %convert_element_type3A_90 = arith.truncf %exp3A_73 : vector<512x512xf32> to vector<512x512xbf16>
      %dot_general3A_91 = arith.constant dense<0.000000e+00> : vector<512x64xf32>
      %dot_general3A_92 = tpu.matmul %convert_element_type3A_90, %get3A_87, %dot_general3A_91 {dimension_numbers = #tpu.dot_dimension_numbers<[1], [0], [0], [1], [0, 0, 1, 1], [], []>, transpose_lhs_hint = false} : vector<512x512xbf16>, vector<512x64xbf16>, vector<512x64xf32> -> vector<512x64xf32>
      %add3A_93 = arith.addf %mul3A_89, %dot_general3A_92 : vector<512x64xf32>
      scf.yield %max3A_70, %add3A_80, %add3A_93 : vector<512x1xf32>, vector<512x1xf32>, vector<512x64xf32>
    }
    %mul3A = arith.constant 512 : i32
    %mul3A_19 = arith.muli %arg1, %mul3A : i32
    %get3A_20 = arith.constant 0 : index
    %get3A_21 = arith.index_cast %mul3A_19 : i32 to index
    %get3A_22 = arith.constant 0 : index
    %get3A_23 = vector.load %arg3[%get3A_20, %get3A_21, %get3A_22] : memref<1x2048x64xbf16, #tpu.memory_space<vmem>>, vector<1x512x64xbf16>
    %get3A_24 = vector.shape_cast %get3A_23 : vector<1x512x64xbf16> to vector<512x64xbf16>
    %dot_general3A = arith.constant dense<0.000000e+00> : vector<512x512xf32>
    %dot_general3A_25 = tpu.matmul %get3A_3, %get3A_24, %dot_general3A {dimension_numbers = #tpu.dot_dimension_numbers<[1], [1], [0], [0], [0, 0, 1, 0], [], []>, transpose_lhs_hint = false} : vector<512x64xbf16>, vector<512x64xbf16>, vector<512x512xf32> -> vector<512x512xf32>
    %iota3A = tpu.iota {dimensions = array<i32: 0>} : vector<512x512xi32>
    %iota3A_26 = tpu.iota {dimensions = array<i32: 1>} : vector<512x512xi32>
    %ge3A = arith.cmpi sge, %iota3A, %iota3A_26 : vector<512x512xi32>
    %jit3A = arith.constant -1.000000e+30 : f32
    %broadcast_in_dim3A_27 = vector.broadcast %jit3A : f32 to vector<512x512xf32>
    %select_n3A = arith.select %ge3A, %dot_general3A_25, %broadcast_in_dim3A_27 : vector<512x512xi1>, vector<512x512xf32>
    %reduce_max3A = arith.constant dense<0xFF800000> : vector<512xf32>
    %reduce_max3A_28 = vector.multi_reduction <maximumf>, %select_n3A, %reduce_max3A [1] : vector<512x512xf32> to vector<512xf32>
    %broadcast_in_dim3A_29 = vector.shape_cast %reduce_max3A_28 : vector<512xf32> to vector<512x1xf32>
    %max3A = arith.maximumf %while3A_18#0, %broadcast_in_dim3A_29 : vector<512x1xf32>
    %sub3A = vector.broadcast %max3A : vector<512x1xf32> to vector<512x512xf32>
    %sub3A_30 = arith.subf %select_n3A, %sub3A : vector<512x512xf32>
    %exp3A = math.exp %sub3A_30 : vector<512x512xf32>
    %sub3A_31 = arith.subf %while3A_18#0, %max3A : vector<512x1xf32>
    %exp3A_32 = math.exp %sub3A_31 : vector<512x1xf32>
    %mul3A_33 = arith.mulf %while3A_18#1, %exp3A_32 : vector<512x1xf32>
    %reduce_sum3A = arith.constant dense<0.000000e+00> : vector<512xf32>
    %reduce_sum3A_34 = vector.multi_reduction <add>, %exp3A, %reduce_sum3A [1] : vector<512x512xf32> to vector<512xf32>
    %broadcast_in_dim3A_35 = vector.shape_cast %reduce_sum3A_34 : vector<512xf32> to vector<512x1xf32>
    %add3A = arith.addf %mul3A_33, %broadcast_in_dim3A_35 : vector<512x1xf32>
    %mul3A_36 = arith.constant 512 : i32
    %mul3A_37 = arith.muli %arg1, %mul3A_36 : i32
    %get3A_38 = arith.constant 0 : index
    %get3A_39 = arith.index_cast %mul3A_37 : i32 to index
    %get3A_40 = arith.constant 0 : index
    %get3A_41 = vector.load %arg4[%get3A_38, %get3A_39, %get3A_40] : memref<1x2048x64xbf16, #tpu.memory_space<vmem>>, vector<1x512x64xbf16>
    %get3A_42 = vector.shape_cast %get3A_41 : vector<1x512x64xbf16> to vector<512x64xbf16>
    %mul3A_43 = vector.broadcast %exp3A_32 : vector<512x1xf32> to vector<512x64xf32>
    %mul3A_44 = arith.mulf %while3A_18#2, %mul3A_43 : vector<512x64xf32>
    %convert_element_type3A = arith.truncf %exp3A : vector<512x512xf32> to vector<512x512xbf16>
    %dot_general3A_45 = arith.constant dense<0.000000e+00> : vector<512x64xf32>
    %dot_general3A_46 = tpu.matmul %convert_element_type3A, %get3A_42, %dot_general3A_45 {dimension_numbers = #tpu.dot_dimension_numbers<[1], [0], [0], [1], [0, 0, 1, 1], [], []>, transpose_lhs_hint = false} : vector<512x512xbf16>, vector<512x64xbf16>, vector<512x64xf32> -> vector<512x64xf32>
    %add3A_47 = arith.addf %mul3A_44, %dot_general3A_46 : vector<512x64xf32>
    %div3A = vector.broadcast %add3A : vector<512x1xf32> to vector<512x64xf32>
    %div3A_48 = arith.divf %add3A_47, %div3A : vector<512x64xf32>
    %swap3A = arith.constant 0 : index
    %swap3A_49 = arith.constant 0 : index
    %swap3A_50 = arith.constant 0 : index
    %swap3A_51 = vector.load %arg5[%swap3A, %swap3A_49, %swap3A_50] : memref<1x512x64xf32, #tpu.memory_space<vmem>>, vector<1x512x64xf32>
    %swap3A_52 = vector.shape_cast %swap3A_51 : vector<1x512x64xf32> to vector<512x64xf32>
    %swap3A_53 = vector.shape_cast %div3A_48 : vector<512x64xf32> to vector<1x512x64xf32>
    tpu.vector_store %arg5[%swap3A, %swap3A_49, %swap3A_50], %swap3A_53 {strides = array<i32>} : memref<1x512x64xf32, #tpu.memory_space<vmem>>, vector<1x512x64xf32>,
    return
  }
  func.func @transform_0(%arg0: i32, %arg1: i32) -> (i32, i32, i32) {
    %c0_i32 = arith.constant 0 : i32
    %c0_i32_0 = arith.constant 0 : i32
    return %arg0, %arg1, %c0_i32 : i32, i32, i32
  }
  func.func @transform_1(%arg0: i32, %arg1: i32) -> (i32, i32, i32) {
    %jit3A = arith.constant 3 : i32
    %div3A = arith.divsi %arg0, %jit3A : i32
    %sign3A = arith.constant 0 : i32
    %sign3A_0 = arith.cmpi sgt, %arg0, %sign3A : i32
    %sign3A_1 = arith.extui %sign3A_0 : i1 to i32
    %sign3A_2 = arith.constant 0 : i32
    %sign3A_3 = arith.cmpi slt, %arg0, %sign3A_2 : i32
    %sign3A_4 = arith.extui %sign3A_3 : i1 to i32
    %sign3A_5 = arith.subi %sign3A_1, %sign3A_4 : i32
    %sign3A_6 = arith.constant 0 : i32
    %sign3A_7 = arith.cmpi sgt, %jit3A, %sign3A_6 : i32
    %sign3A_8 = arith.extui %sign3A_7 : i1 to i32
    %sign3A_9 = arith.constant 0 : i32
    %sign3A_10 = arith.cmpi slt, %jit3A, %sign3A_9 : i32
    %sign3A_11 = arith.extui %sign3A_10 : i1 to i32
    %sign3A_12 = arith.subi %sign3A_8, %sign3A_11 : i32
    %ne3A = arith.cmpi ne, %sign3A_5, %sign3A_12 : i32
    %rem3A = arith.remsi %arg0, %jit3A : i32
    %ne3A_13 = arith.constant 0 : i32
    %ne3A_14 = arith.cmpi ne, %rem3A, %ne3A_13 : i32
    %and3A = arith.andi %ne3A, %ne3A_14 : i1
    %sub3A = arith.constant 1 : i32
    %sub3A_15 = arith.subi %div3A, %sub3A : i32
    %select_n3A = arith.select %and3A, %sub3A_15, %div3A : i32
    %c0_i32 = arith.constant 0 : i32
    %c0_i32_16 = arith.constant 0 : i32
    %c0_i32_17 = arith.constant 0 : i32
    return %select_n3A, %c0_i32, %c0_i32_16 : i32, i32, i32
  }
  func.func @transform_2(%arg0: i32, %arg1: i32) -> (i32, i32, i32) {
    %jit3A = arith.constant 3 : i32
    %div3A = arith.divsi %arg0, %jit3A : i32
    %sign3A = arith.constant 0 : i32
    %sign3A_0 = arith.cmpi sgt, %arg0, %sign3A : i32
    %sign3A_1 = arith.extui %sign3A_0 : i1 to i32
    %sign3A_2 = arith.constant 0 : i32
    %sign3A_3 = arith.cmpi slt, %arg0, %sign3A_2 : i32
    %sign3A_4 = arith.extui %sign3A_3 : i1 to i32
    %sign3A_5 = arith.subi %sign3A_1, %sign3A_4 : i32
    %sign3A_6 = arith.constant 0 : i32
    %sign3A_7 = arith.cmpi sgt, %jit3A, %sign3A_6 : i32
    %sign3A_8 = arith.extui %sign3A_7 : i1 to i32
    %sign3A_9 = arith.constant 0 : i32
    %sign3A_10 = arith.cmpi slt, %jit3A, %sign3A_9 : i32
    %sign3A_11 = arith.extui %sign3A_10 : i1 to i32
    %sign3A_12 = arith.subi %sign3A_8, %sign3A_11 : i32
    %ne3A = arith.cmpi ne, %sign3A_5, %sign3A_12 : i32
    %rem3A = arith.remsi %arg0, %jit3A : i32
    %ne3A_13 = arith.constant 0 : i32
    %ne3A_14 = arith.cmpi ne, %rem3A, %ne3A_13 : i32
    %and3A = arith.andi %ne3A, %ne3A_14 : i1
    %sub3A = arith.constant 1 : i32
    %sub3A_15 = arith.subi %div3A, %sub3A : i32
    %select_n3A = arith.select %and3A, %sub3A_15, %div3A : i32
    %c0_i32 = arith.constant 0 : i32
    %c0_i32_16 = arith.constant 0 : i32
    %c0_i32_17 = arith.constant 0 : i32
    return %select_n3A, %c0_i32, %c0_i32_16 : i32, i32, i32
  }
  func.func @transform_3(%arg0: i32, %arg1: i32) -> (i32, i32, i32) {
    %c0_i32 = arith.constant 0 : i32
    %c0_i32_0 = arith.constant 0 : i32
    return %arg0, %arg1, %c0_i32 : i32, i32, i32
  }
}

module attributes {stable_mosaic.version = 14 : i64} {
  func.func @_k5_body(%arg0: i32, %arg1: memref<25xi32, #tpu.memory_space<smem>>, %arg2: memref<256x768xf32, #tpu.memory_space<vmem>>, %arg3: memref<1x3072x768xf32, #tpu.memory_space<vmem>>, %arg4: memref<1x768x1536xf32, #tpu.memory_space<vmem>>, %arg5: memref<256x768xf32, #tpu.memory_space<vmem>>) attributes {dimension_semantics = [#tpu.dimension_semantics<arbitrary>], iteration_bounds = array<i64: 24>, scalar_prefetch = 1 : i64, scratch_operands = 0 : i64, tpu.core_type = #tpu.core_type<tc>, window_params = [{transform_indices = @transform_0, window_bounds = array<i64: 256, 768>}, {transform_indices = @transform_1, window_bounds = array<i64: 1, 3072, 768>}, {transform_indices = @transform_2, window_bounds = array<i64: 1, 768, 1536>}, {transform_indices = @transform_3, window_bounds = array<i64: 256, 768>}]} {
    %get3A = arith.constant 24 : index
    %get3A_0 = memref.load %arg1[%get3A] : memref<25xi32, #tpu.memory_space<smem>>
    %lt3A = arith.cmpi slt, %arg0, %get3A_0 : i32
    %convert_element_type3A = arith.extui %lt3A : i1 to i32
    %cond3A = arith.constant 0 : i32
    %cond3A_1 = arith.cmpi ne, %convert_element_type3A, %cond3A : i32
    scf.if %cond3A_1 {
      %get3A_2 = arith.constant 0 : index
      %get3A_3 = arith.constant 0 : index
      %get3A_4 = vector.load %arg2[%get3A_2, %get3A_3] : memref<256x768xf32, #tpu.memory_space<vmem>>, vector<256x768xf32>
      %convert_element_type3A_5 = arith.truncf %get3A_4 : vector<256x768xf32> to vector<256x768xbf16>
      %get3A_6 = arith.constant 0 : index
      %get3A_7 = arith.constant 0 : index
      %get3A_8 = arith.constant 0 : index
      %get3A_9 = vector.load %arg3[%get3A_6, %get3A_7, %get3A_8] : memref<1x3072x768xf32, #tpu.memory_space<vmem>>, vector<1x1536x768xf32>
      %get3A_10 = vector.shape_cast %get3A_9 : vector<1x1536x768xf32> to vector<1536x768xf32>
      %convert_element_type3A_11 = arith.truncf %get3A_10 : vector<1536x768xf32> to vector<1536x768xbf16>
      %get3A_12 = arith.constant 0 : index
      %get3A_13 = arith.constant 1536 : index
      %get3A_14 = arith.constant 0 : index
      %get3A_15 = vector.load %arg3[%get3A_12, %get3A_13, %get3A_14] : memref<1x3072x768xf32, #tpu.memory_space<vmem>>, vector<1x1536x768xf32>
      %get3A_16 = vector.shape_cast %get3A_15 : vector<1x1536x768xf32> to vector<1536x768xf32>
      %convert_element_type3A_17 = arith.truncf %get3A_16 : vector<1536x768xf32> to vector<1536x768xbf16>
      %get3A_18 = arith.constant 0 : index
      %get3A_19 = arith.constant 0 : index
      %get3A_20 = arith.constant 0 : index
      %get3A_21 = vector.load %arg4[%get3A_18, %get3A_19, %get3A_20] : memref<1x768x1536xf32, #tpu.memory_space<vmem>>, vector<1x768x1536xf32>
      %get3A_22 = vector.shape_cast %get3A_21 : vector<1x768x1536xf32> to vector<768x1536xf32>
      %convert_element_type3A_23 = arith.truncf %get3A_22 : vector<768x1536xf32> to vector<768x1536xbf16>
      %dot_general3A = arith.constant dense<0.000000e+00> : vector<256x1536xf32>
      %dot_general3A_24 = tpu.matmul %convert_element_type3A_5, %convert_element_type3A_11, %dot_general3A {dimension_numbers = #tpu.dot_dimension_numbers<[1], [1], [0], [0], [0, 0, 1, 0], [], []>, transpose_lhs_hint = false} : vector<256x768xbf16>, vector<1536x768xbf16>, vector<256x1536xf32> -> vector<256x1536xf32>
      %dot_general3A_25 = arith.constant dense<0.000000e+00> : vector<256x1536xf32>
      %dot_general3A_26 = tpu.matmul %convert_element_type3A_5, %convert_element_type3A_17, %dot_general3A_25 {dimension_numbers = #tpu.dot_dimension_numbers<[1], [1], [0], [0], [0, 0, 1, 0], [], []>, transpose_lhs_hint = false} : vector<256x768xbf16>, vector<1536x768xbf16>, vector<256x1536xf32> -> vector<256x1536xf32>
      %neg3A = arith.constant 0.000000e+00 : f32
      %neg3A_27 = vector.broadcast %neg3A : f32 to vector<256x1536xf32>
      %neg3A_28 = arith.subf %neg3A_27, %dot_general3A_24 : vector<256x1536xf32>
      %exp3A = math.exp %neg3A_28 : vector<256x1536xf32>
      %add3A = arith.constant 1.000000e+00 : f32
      %add3A_29 = vector.broadcast %add3A : f32 to vector<256x1536xf32>
      %add3A_30 = arith.addf %add3A_29, %exp3A : vector<256x1536xf32>
      %div3A = arith.divf %dot_general3A_24, %add3A_30 : vector<256x1536xf32>
      %mul3A = arith.mulf %div3A, %dot_general3A_26 : vector<256x1536xf32>
      %convert_element_type3A_31 = arith.truncf %mul3A : vector<256x1536xf32> to vector<256x1536xbf16>
      %dot_general3A_32 = arith.constant dense<0.000000e+00> : vector<256x768xf32>
      %dot_general3A_33 = tpu.matmul %convert_element_type3A_31, %convert_element_type3A_23, %dot_general3A_32 {dimension_numbers = #tpu.dot_dimension_numbers<[1], [1], [0], [0], [0, 0, 1, 0], [], []>, transpose_lhs_hint = false} : vector<256x1536xbf16>, vector<768x1536xbf16>, vector<256x768xf32> -> vector<256x768xf32>
      %swap3A = arith.constant 0 : index
      %swap3A_34 = arith.constant 0 : index
      %swap3A_35 = vector.load %arg5[%swap3A, %swap3A_34] : memref<256x768xf32, #tpu.memory_space<vmem>>, vector<256x768xf32>
      tpu.vector_store %arg5[%swap3A, %swap3A_34], %dot_general3A_33 {strides = array<i32>} : memref<256x768xf32, #tpu.memory_space<vmem>>, vector<256x768xf32>,
    } else {
    }
    return
  }
  func.func @transform_0(%arg0: i32, %arg1: memref<25xi32, #tpu.memory_space<smem>>) -> (i32, i32) {
    %c0_i32 = arith.constant 0 : i32
    %c0_i32_0 = arith.constant 0 : i32
    return %arg0, %c0_i32 : i32, i32
  }
  func.func @transform_1(%arg0: i32, %arg1: memref<25xi32, #tpu.memory_space<smem>>) -> (i32, i32, i32) {
    %get3A = arith.index_cast %arg0 : i32 to index
    %get3A_0 = memref.load %arg1[%get3A] : memref<25xi32, #tpu.memory_space<smem>>
    %c0_i32 = arith.constant 0 : i32
    %c0_i32_1 = arith.constant 0 : i32
    %c0_i32_2 = arith.constant 0 : i32
    return %get3A_0, %c0_i32, %c0_i32_1 : i32, i32, i32
  }
  func.func @transform_2(%arg0: i32, %arg1: memref<25xi32, #tpu.memory_space<smem>>) -> (i32, i32, i32) {
    %get3A = arith.index_cast %arg0 : i32 to index
    %get3A_0 = memref.load %arg1[%get3A] : memref<25xi32, #tpu.memory_space<smem>>
    %c0_i32 = arith.constant 0 : i32
    %c0_i32_1 = arith.constant 0 : i32
    %c0_i32_2 = arith.constant 0 : i32
    return %get3A_0, %c0_i32, %c0_i32_1 : i32, i32, i32
  }
  func.func @transform_3(%arg0: i32, %arg1: memref<25xi32, #tpu.memory_space<smem>>) -> (i32, i32) {
    %c0_i32 = arith.constant 0 : i32
    %c0_i32_0 = arith.constant 0 : i32
    return %arg0, %c0_i32 : i32, i32
  }
}

module attributes {stable_mosaic.version = 14 : i64} {
  func.func @_k6_body(%arg0: i32, %arg1: memref<256x768xf32, #tpu.memory_space<vmem>>, %arg2: memref<256x768xf32, #tpu.memory_space<vmem>>, %arg3: memref<256x768xf32, #tpu.memory_space<vmem>>, %arg4: memref<256x1xf32, #tpu.memory_space<vmem>>, %arg5: memref<256x1xf32, #tpu.memory_space<vmem>>, %arg6: memref<256x768xf32, #tpu.memory_space<vmem>>) attributes {dimension_semantics = [#tpu.dimension_semantics<arbitrary>], iteration_bounds = array<i64: 8>, scalar_prefetch = 0 : i64, scratch_operands = 0 : i64, tpu.core_type = #tpu.core_type<tc>, window_params = [{transform_indices = @transform_0, window_bounds = array<i64: 256, 768>}, {transform_indices = @transform_1, window_bounds = array<i64: 256, 768>}, {transform_indices = @transform_2, window_bounds = array<i64: 256, 768>}, {transform_indices = @transform_3, window_bounds = array<i64: 256, 1>}, {transform_indices = @transform_4, window_bounds = array<i64: 256, 1>}, {transform_indices = @transform_5, window_bounds = array<i64: 256, 768>}]} {
    %get3A = arith.constant 0 : index
    %get3A_0 = arith.constant 0 : index
    %get3A_1 = vector.load %arg1[%get3A, %get3A_0] : memref<256x768xf32, #tpu.memory_space<vmem>>, vector<256x768xf32>
    %get3A_2 = arith.constant 0 : index
    %get3A_3 = arith.constant 0 : index
    %get3A_4 = vector.load %arg4[%get3A_2, %get3A_3] : memref<256x1xf32, #tpu.memory_space<vmem>>, vector<256x1xf32>
    %get3A_5 = arith.constant 0 : index
    %get3A_6 = arith.constant 0 : index
    %get3A_7 = vector.load %arg2[%get3A_5, %get3A_6] : memref<256x768xf32, #tpu.memory_space<vmem>>, vector<256x768xf32>
    %mul3A = vector.broadcast %get3A_4 : vector<256x1xf32> to vector<256x768xf32>
    %mul3A_8 = arith.mulf %mul3A, %get3A_7 : vector<256x768xf32>
    %add3A = arith.addf %get3A_1, %mul3A_8 : vector<256x768xf32>
    %get3A_9 = arith.constant 0 : index
    %get3A_10 = arith.constant 0 : index
    %get3A_11 = vector.load %arg5[%get3A_9, %get3A_10] : memref<256x1xf32, #tpu.memory_space<vmem>>, vector<256x1xf32>
    %get3A_12 = arith.constant 0 : index
    %get3A_13 = arith.constant 0 : index
    %get3A_14 = vector.load %arg3[%get3A_12, %get3A_13] : memref<256x768xf32, #tpu.memory_space<vmem>>, vector<256x768xf32>
    %mul3A_15 = vector.broadcast %get3A_11 : vector<256x1xf32> to vector<256x768xf32>
    %mul3A_16 = arith.mulf %mul3A_15, %get3A_14 : vector<256x768xf32>
    %add3A_17 = arith.addf %add3A, %mul3A_16 : vector<256x768xf32>
    %swap3A = arith.constant 0 : index
    %swap3A_18 = arith.constant 0 : index
    %swap3A_19 = vector.load %arg6[%swap3A, %swap3A_18] : memref<256x768xf32, #tpu.memory_space<vmem>>, vector<256x768xf32>
    tpu.vector_store %arg6[%swap3A, %swap3A_18], %add3A_17 {strides = array<i32>} : memref<256x768xf32, #tpu.memory_space<vmem>>, vector<256x768xf32>,
    return
  }
  func.func @transform_0(%arg0: i32) -> (i32, i32) {
    %c0_i32 = arith.constant 0 : i32
    %c0_i32_0 = arith.constant 0 : i32
    return %arg0, %c0_i32 : i32, i32
  }
  func.func @transform_1(%arg0: i32) -> (i32, i32) {
    %c0_i32 = arith.constant 0 : i32
    %c0_i32_0 = arith.constant 0 : i32
    return %arg0, %c0_i32 : i32, i32
  }
  func.func @transform_2(%arg0: i32) -> (i32, i32) {
    %c0_i32 = arith.constant 0 : i32
    %c0_i32_0 = arith.constant 0 : i32
    return %arg0, %c0_i32 : i32, i32
  }
  func.func @transform_3(%arg0: i32) -> (i32, i32) {
    %c0_i32 = arith.constant 0 : i32
    %c0_i32_0 = arith.constant 0 : i32
    return %arg0, %c0_i32 : i32, i32
  }
  func.func @transform_4(%arg0: i32) -> (i32, i32) {
    %c0_i32 = arith.constant 0 : i32
    %c0_i32_0 = arith.constant 0 : i32
    return %arg0, %c0_i32 : i32, i32
  }
  func.func @transform_5(%arg0: i32) -> (i32, i32) {
    %c0_i32 = arith.constant 0 : i32
    %c0_i32_0 = arith.constant 0 : i32
    return %arg0, %c0_i32 : i32, i32
  }
}

</mosaic_0001>

<sc_bundles>
// kernel: kernel.12.cloned.1.call-start
scs
__scs_entry_jumppad:
0x0: {  	(pc) =	sbr.rel $0x88, $3  }
0x1: {  	(tag) =	ssettag $0x0;
	lr =	simm.s32 $0x1  }
0x2: {  	[smem:$0x3F96] =	sst lr;
	_ =	strace $0xD0000000  }
0x3: {  	_ = 	snop  }
0x4: {  	_ = 	snop  }
0x5: {  	_ = 	snop  }
0x6: {  	_ = 	snop  }
0x7: {  	_ = 	snop  }
__scs_overlays_trampoline_lowered:
0x8: {  	[smem:$0x3FA5] =	sst s0  }
0x9: {  	[smem:$0x3FA6] =	sst s1  }
0xa: {  	[smem:$0x3FA7] =	sst s2  }
0xb: {  	[smem:$0x3FA8] =	sst s3  }
0xc: {  	[smem:$0x3FA9] =	sst s4  }
0xd: {  	[smem:$0x3FAA] =	sst s5  }
0xe: {  	[smem:$0x3FAB] =	sst s6  }
0xf: {  	[smem:$0x3FAC] =	sst s7  }
0x10: {  	[smem:$0x3FAD] =	sst s8  }
0x11: {  	[smem:$0x3FAE] =	sst s9;
	s0 =	simm.s32 @!p0 $0x0  }
0x12: {  	s1 =	sld [smem:$0x3F94];
	s0 =	simm.s32 @p0 $0x1  }
0x13: {  	[smem:$0x3FAF] =	sst s0;
	s0 =	simm.s32 @!p1 $0x0  }
0x14: {  	s2 =	sld [smem:$0x3F93];
	s0 =	simm.s32 @p1 $0x1  }
0x15: {  	[smem:$0x3FB0] =	sst s0;
	s0 =	simm.s32 @!p2 $0x0  }
0x16: {  	s3 =	sld [smem:$0x3FDB];
	s0 =	simm.s32 @p2 $0x1  }
0x17: {  	s4 =	simm.s32 $0x1BF5;
	[smem:$0x3FB2] =	sst s0  }
0x18: {  	s0 =	sld [smem:$0x3F95];
	_ =	swait.ge [sflag:s4], $0x0  }
0x19: {  	s7 =	sld [smem:$0x3F96]  }
0x1a: {  	s8 =	sadd.s32 $0xFFFFE003, lr  }
0x1b: {  	s9 =	sadd.s32 $0xFFFFFEF7, lr;
	s5 =	simm.s32 $0xFFFFFFFF;
	p2 =	slt.u32 s8, $0xFFFFF086  }
0x1c: {  	p1 =	slt.u32 s9, $0xF7A;
	s5 =	simm.s32 @!p2 $0x0  }
0x1d: {  	s5 =	simm.s32 @p1 $0x1;
	p0 =	seq.s32 s7, s2  }
0x1e: {  	s7 =	smul.u32 @!p0 $0xF7A, s2;
	p2 =	seq.s32 @!p0 s5, $0x0  }
0x1f: {  	s9 =	smul.u32 $0xF7A, s1;
	s8 =	simm.s32 @!p0 $0x1BF5;
	p2 =	por !p2, p0  }
0x20: {  	[sflag:s8] =	ssyncset.s32 @!p0 $0xFFFFF086;
	s6 =	sadd.s32 @!p0 s3, s7;
	s7 =	simm.s32 @!p0 $0x108  }
0x21: {  	s3 =	sadd.s32 s3, s9;
	s6 =	sadd.s32 @!p0 $0x88, s6;
	s7 =	simm.s32 @p2 $0x1082  }
0x22: {  	[simem:s7], [sflag:s8] =	dma.local @!p0 [hbm:s6], $0xF7A  }
0x23: {  	s9 =	sor.u32 $0xD0000000, s2;
	s6 =	simm.s32 $0x108;
	_ =	swait.ge @!p0 [sflag:s8], $0x0  }
0x24: {  	s3 =	sadd.s32 $0x88, s3;
	s6 =	simm.s32 @!p1 $0x1082;
	[sflag:s4] =	ssyncset.s32 $0xFFFFF086  }
0x25: {  	[simem:s6], [sflag:s4] =	dma.local [hbm:s3], $0xF7A  }
0x26: {  	[smem:$0x3F96] =	sst s1;
	(tag) =	ssettag s2;
	_ =	strace s9  }
0x27: {  	s1 =	sld [smem:$0x3FA6]  }
0x28: {  	s2 =	sld [smem:$0x3FA7]  }
0x29: {  	s4 =	sld [smem:$0x3FA9]  }
0x2a: {  	p0 =	seq.s32 s5, $0x0;
	s5 =	sld [smem:$0x3FAA]  }
0x2b: {  	s6 =	sld [smem:$0x3FAB]  }
0x2c: {  	s7 =	sld [smem:$0x3FAC]  }
0x2d: {  	s3 =	simm.s32 $0x108;
	s8 =	sld [smem:$0x3FAD]  }
0x2e: {  	s3 =	simm.s32 @!p0 $0x1082;
	s9 =	sld [smem:$0x3FAE]  }
0x2f: {  	lr =	sadd.s32 s0, s3;
	s0 =	sld [smem:$0x3FA5]  }
0x30: {  	s3 =	sld [smem:$0x3FA8]  }
0x31: {  	[smem:$0x3FB1] =	sst s10  }
0x32: {  	s10 =	sld [smem:$0x3FAF];
	_ =	sdelay $0x3  }
0x33: {  	p0 =	seq.s32 s10, $0x1;
	s10 =	sld [smem:$0x3FB1];
	_ =	sdelay $0x3  }
0x34: {  	[smem:$0x3FB1] =	sst s10  }
0x35: {  	s10 =	sld [smem:$0x3FB0];
	_ =	sdelay $0x3  }
0x36: {  	p1 =	seq.s32 s10, $0x1;
	s10 =	sld [smem:$0x3FB1];
	_ =	sdelay $0x3  }
0x37: {  	[smem:$0x3FB1] =	sst s10  }
0x38: {  	s10 =	sld [smem:$0x3FB2]  }
0x39: {  	_ = 	snop;
	(pc) =	sbr.ind lr, $3  }
0x3a: {  	_ = 	snop  }
0x3b: {  	_ = 	snop  }
0x3c: {  	p2 =	seq.s32 s10, $0x1;
	s10 =	sld [smem:$0x3FB1]  }
0x3d: {  	_ =	shalt  }
0x3e: {  	_ =	shalt  }
0x3f: {  	_ =	shalt  }
0x40: {  	_ =	shalt  }
0x41: {  	_ =	shalt  }
0x42: {  	_ =	shalt  }
0x43: {  	_ =	shalt  }
0x44: {  	_ =	shalt  }
0x45: {  	_ =	shalt  }
0x46: {  	_ =	shalt  }
0x47: {  	_ =	shalt  }
0x48: {  	_ =	shalt  }
0x49: {  	_ =	shalt  }
0x4a: {  	_ =	shalt  }
0x4b: {  	_ =	shalt  }
0x4c: {  	_ =	shalt  }
0x4d: {  	_ =	shalt  }
0x4e: {  	_ =	shalt  }
0x4f: {  	_ =	shalt  }
0x50: {  	_ =	shalt  }
0x51: {  	_ =	shalt  }
0x52: {  	_ =	shalt  }
0x53: {  	_ =	shalt  }
0x54: {  	_ =	shalt  }
0x55: {  	_ =	shalt  }
0x56: {  	_ =	shalt  }
0x57: {  	_ =	shalt  }
0x58: {  	_ =	shalt  }
0x59: {  	_ =	shalt  }
0x5a: {  	_ =	shalt  }
0x5b: {  	_ =	shalt  }
0x5c: {  	_ =	shalt  }
0x5d: {  	_ =	shalt  }
0x5e: {  	_ =	shalt  }
0x5f: {  	_ =	shalt  }
0x60: {  	_ =	shalt  }
0x61: {  	_ =	shalt  }
0x62: {  	_ =	shalt  }
0x63: {  	_ =	shalt  }
0x64: {  	_ =	shalt  }
0x65: {  	_ =	shalt  }
0x66: {  	_ =	shalt  }
0x67: {  	_ =	shalt  }
0x68: {  	_ =	shalt  }
0x69: {  	_ =	shalt  }
0x6a: {  	_ =	shalt  }
0x6b: {  	_ =	shalt  }
0x6c: {  	_ =	shalt  }
0x6d: {  	_ =	shalt  }
0x6e: {  	_ =	shalt  }
0x6f: {  	_ =	shalt  }
0x70: {  	_ =	shalt  }
0x71: {  	_ =	shalt  }
0x72: {  	_ =	shalt  }
0x73: {  	_ =	shalt  }
0x74: {  	_ =	shalt  }
0x75: {  	_ =	shalt  }
0x76: {  	_ =	shalt  }
0x77: {  	_ =	shalt  }
0x78: {  	_ =	shalt  }
0x79: {  	_ =	shalt  }
0x7a: {  	_ =	shalt  }
0x7b: {  	_ =	shalt  }
0x7c: {  	_ =	shalt  }
0x7d: {  	_ =	shalt  }
0x7e: {  	_ =	shalt  }
0x7f: {  	_ =	shalt  }
0x80: {  	_ =	shalt  }
0x81: {  	_ =	shalt  }
0x82: {  	_ =	shalt  }
0x83: {  	_ =	shalt  }
0x84: {  	_ =	shalt  }
0x85: {  	_ =	shalt  }
0x86: {  	_ =	shalt  }
0x87: {  	_ =	shalt  }
.Lfunc_end0:
.L_simem_size_0:
called_computation.1_lowered:
.L_overlay_start_0:
0x88: {  	s2 =	sld [smem:$0x3FD9]  }
0x89: {  	s3 =	sld [smem:$0x3FFE];
	_ =	sdelay $0x1  }
0x8a: {  	s1 =	srdreg.scid  }
0x8b: {  	s0 =	sand.u32 $0x1, s1  }
0x8c: {  	s16 =	sshll.u32 s0, $0xA;
	s2 =	sadd.s32 s3, s2  }
0x8d: {  	s2 =	sadd.s32 s2, s16  }
0x8e: {  	[smem:$0x3FBD] =	sst s2  }
0x8f: {  	_ = 	snop  }
0x90: {  	(tm) =	ssettm $0x1  }
0x91: {  	s17 =	sld [smem:$0x3FFB];
	_ =	sdelay $0x3  }
0x92: {  	_ =	strace s17  }
0x93: {  	s2 =	sld [smem:$0x3FFC];
	_ =	sdelay $0x3  }
0x94: {  	_ =	strace s2  }
0x95: {  	s2 =	sld [smem:$0x3FFD];
	_ =	sdelay $0x3  }
0x96: {  	_ =	strace s2  }
0x97: {  	_ =	strace $0x8FFFFFFF  }
0x98: {  	s18 =	sld [smem:$0x3FDB];
	_ =	sdelay $0x1  }
0x99: {  	s19 =	simm.s32 $_scs_section_size  }
0x9a: {  	s4 =	simm.s32 $_size__tile_overlayer_lowered;
	s5 =	simm.s32 $_tile_overlayer_lowered  }
0x9b: {  	s22 =	simm.s32 $0x1BFF;
	s21 =	sshll.u32 s5, $0x1;
	s2 =	sadd.s32 s19, s18  }
0x9c: {  	s6 =	simm.s32 $0x0;
	s20 =	sshll.u32 s4, $0x1;
	s4 =	sadd.s32 s21, s2  }
0x9d: {  	[timem:s6], [sflag:s22] =	dma.local [hbm:s4], s20  }
0x9e: {  	_ =	swait.ge [sflag:s22], s20  }
0x9f: {  	s3 =	ssub.s32 $0x0, s20;
	[sflag:s22] =	ssyncset.done $0x0  }
0xa0: {  	[sflag:s22] =	ssyncadd.s32 s3;
	_ =	sdelay $0x1  }
0xa1: {  	s23 =	simm.s32 $0x1B8B  }
0xa2: {  	_ =	swait.ge [sflag:s23], $0x1  }
0xa3: {  	[sflag:s23] =	ssyncset.done $0x0  }
0xa4: {  	s25 =	simm.s32 $0x1B8E;
	s24 =	sld [smem:$0x3FFE];
	[sflag:s23] =	ssyncadd.s32 $0xFFFFFFFF  }
0xa5: {  	s26 =	simm.s32 $execute0_lowered;
	[smem:$0x3FD2] =	sst s25  }
0xa6: {  	s4 =	sshll.u32 s26, $0x1;
	_ =	strace $0x80000049;
	[dreg:$0x1] =	wrdreg $0xFFFFFFFF  }
0xa7: {  	s28 =	simm.s32 $_size_execute0_lowered;
	s2 =	sadd.s32 s2, s4;
	[dreg:$0x0] =	wrdreg $0x0  }
0xa8: {  	s4 =	sshll.u32 s28, $0x1;
	[dreg:$0x2] =	wrdreg s2  }
0xa9: {  	[dreg:$0x3] =	wrdreg s4  }
0xaa: {  	[dreg:$0x4] =	wrdreg $0xC0  }
0xab: {  	_ =	task [dreg:s6], $0x5FFFF  }
0xac: {  	[dreg:$0x1] =	wrdreg $0xFFFFFFFF  }
0xad: {  	[dreg:$0x0] =	wrdreg $0x60  }
0xae: {  	[dreg:$0x2] =	wrdreg s24  }
0xaf: {  	[dreg:$0x3] =	wrdreg $0x9  }
0xb0: {  	_ =	task.clear_ibuf [dreg:s6], $0x4FFFF;
	_ =	strace $0x90000049  }
0xb1: {  	s29 =	simm.s32 $0x9;
	_ =	strace $0x8000004B  }
0xb2: {  	_ =	swait.ge [sflag:s29], $0x1  }
0xb3: {  	[sflag:s29] =	ssyncadd.s32 $0xFFFFFFFF  }
0xb4: {  	_ =	strace $0x9000004B  }
0xb5: {  	_ =	sfence  }
0xb6: {  	s30 =	sld [smem:$0x0];
	_ =	sdelay $0x2  }
0xb7: {  	s31 =	sshll.u32 s1, $0xD;
	s1 =	sshrl.u32 s1, $0x2  }
0xb8: {  	s3 =	sand.u32 $0x4000, s31;
	s1 =	sadd.s32 s1, s30  }
0xb9: {  	s0 =	sor.u32 s3, s0;
	s1 =	sshll.u32 s1, $0x11  }
0xba: {  	s0 =	sor.u32 s1, s0  }
0xbb: {  	s0 =	sadd.s32 $0x8F2B, s0  }
0xbc: {  	[sflag:s0] =	ssyncadd.remote.s32 $0x1  }
0xbd: {  	_ =	sfence.sel $0xFFFF  }
0xbe: {  	[dreg:$0x0] =	wrdreg $0xFFFFFFFF;
	(pc) =	sbr.abs _section_cstart, $3  }
0xbf: {  	[dreg:$0x1] =	wrdreg $0xFFFFFFFF  }
0xc0: {  	_ =	task.clear_ibuf [dreg:s6], $0x2FFFF;
	_ =	strace $0x9FFFFFFF  }
0xc1: {  	(tm) =	ssettm $0x7FFFFFFF  }
tec
execute0_lowered:
.L_overlay_start_1:
0x0: {  	(tag) =	ssettag $0x1  }
0x1: {  	s2 =	srdreg.scid;
	s0 =	stileid.u32  }
0x2: {  	s1 =	rddreg [dreg:$0x0];
	s4 =	sand.u32 $0x1, s2;
	s2 =	simm.s32 $0x0  }
0x3: {  	s26 =	simm.s32 $0x900;
	s24 =	sshll.u32 s0, $0x1;
	[smem:$0x7FF] =	sst s2  }
0x4: {  	s0 =	simm.s32 $0x1100;
	_ =	strace $0x8000004A;
	[dreg:$0x5] =	wrdreg s26  }
0x5: {  	s6 =	simm.s32 $0x2100;
	[dreg:$0x6] =	wrdreg s0  }
0x6: {  	s7 =	simm.s32 $0x2900;
	[dreg:$0x8] =	wrdreg s6  }
0x7: {  	s8 =	simm.s32 $0x3100;
	[dreg:$0x9] =	wrdreg s7  }
0x8: {  	s9 =	simm.s32 $0x3900;
	[dreg:$0xa] =	wrdreg s8  }
0x9: {  	s10 =	simm.s32 $0x4100;
	[dreg:$0xb] =	wrdreg s9  }
0xa: {  	s11 =	simm.s32 $0x4900;
	[dreg:$0xc] =	wrdreg s10  }
0xb: {  	s12 =	simm.s32 $0x5100;
	[dreg:$0xd] =	wrdreg s11  }
0xc: {  	s13 =	simm.s32 $0x5900;
	[dreg:$0xe] =	wrdreg s12  }
0xd: {  	s14 =	simm.s32 $0x6100;
	[dreg:$0xf] =	wrdreg s13  }
0xe: {  	s15 =	simm.s32 $0x6900;
	[dreg:$0x10] =	wrdreg s14  }
0xf: {  	s16 =	simm.s32 $0x7100;
	s17 =	simm.s32 $0x7900;
	[dreg:$0x11] =	wrdreg s15  }
0x10: {  	s18 =	simm.s32 $0x8100;
	s19 =	simm.s32 $0x8900;
	[dreg:$0x12] =	wrdreg s16  }
0x11: {  	s20 =	simm.s32 $0x9100;
	s21 =	simm.s32 $0x9900;
	[dreg:$0x13] =	wrdreg s17  }
0x12: {  	s22 =	simm.s32 $0xA100;
	s23 =	simm.s32 $0xB100;
	[dreg:$0x14] =	wrdreg s18  }
0x13: {  	s28 =	simm.s32 $0x16100;
	s29 =	simm.s32 $0x16900;
	[dreg:$0x15] =	wrdreg s19  }
0x14: {  	s30 =	simm.s32 $0x17100;
	s31 =	simm.s32 $0x17900;
	[dreg:$0x16] =	wrdreg s20  }
0x15: {  	s3 =	sor.u32 s4, s24;
	s4 =	ssub.s32 $0x2, s4;
	[dreg:$0x17] =	wrdreg s21  }
0x16: {  	s24 =	simm.s32 $0xB900;
	s5 =	sshll.u32 s3, $0x5;
	[dreg:$0x18] =	wrdreg s22  }
0x17: {  	s3 =	smul.u32 $0x1800, s3;
	s6 =	sshrl.u32 s4, $0x1;
	[dreg:$0x1a] =	wrdreg s23  }
0x18: {  	s7 =	simm.s32 $0xA900;
	[dreg:$0x1b] =	wrdreg s24;
	s8 =	simm.s32 $0x100  }
0x19: {  	s26 =	simm.s32 $0xD100;
	s9 =	simm.s32 $0xC100;
	s11 =	simm.s32 $0xE100  }
0x1a: {  	s12 =	simm.s32 $0xE900;
	s13 =	simm.s32 $0xF100;
	s14 =	simm.s32 $0xF900  }
0x1b: {  	s15 =	simm.s32 $0x10100;
	s16 =	simm.s32 $0x10900;
	s17 =	simm.s32 $0x11100  }
0x1c: {  	s18 =	simm.s32 $0x11900;
	s19 =	simm.s32 $0x12100;
	s20 =	simm.s32 $0x12900  }
0x1d: {  	s21 =	simm.s32 $0x13100;
	s22 =	simm.s32 $0x13900;
	s23 =	simm.s32 $0x14100  }
0x1e: {  	s24 =	simm.s32 $0x14900;
	s5 =	sadd.s32 s5, s1;
	[dreg:$0x19] =	wrdreg s7  }
0x1f: {  	[dreg:$0x1d] =	wrdreg s26;
	s3 =	sadd.s32 s3, s1;
	s5 =	sadd.s32 $0x200, s5  }
0x20: {  	s6 =	ssub.s32 s4, s6;
	[dreg:$0x2] =	wrdreg s5;
	s25 =	sadd.s32 $0x90600, s3  }
0x21: {  	s4 =	sadd.s32 $0x700, s1;
	s3 =	sadd.s32 $0xC0600, s3;
	[dreg:$0x3] =	wrdreg s25  }
0x22: {  	s7 =	simm.s32 $0x2;
	s5 =	simm.s32 $0x1900;
	[dreg:$0x4] =	wrdreg s3  }
0x23: {  	v2 =	vlaneseq.u32;
	s26 =	simm.s32 $0x15900;
	s6 =	smax.u32 s6, $0x1;
	[dreg:$0x7] =	wrdreg s5  }
0x24: {  	vm0 =	vmmov $0xffff;
	v1 =	vshrl.u32 v2, $0x3;
	s3 =	sadd.s32 $0x600, s1;
	s5 =	sadd.s32 $0x800, s1;
	s25 =	simm.s32 $0xC900  }
0x25: {  	v0 =	vand.u32 $0x7, v2;
	v2 =	vor.u32 $0x8, v2;
	v1 =	vmul.u32 $0x8, v1;
	s1 =	simm.s32 $0x1;
	[dreg:$0x1c] =	wrdreg s25;
	s25 =	simm.s32 $0x15100  }
.LBB2_1:
0x26: {  	s0 =	rddreg [dreg:$0x2]  }
0x27: {  	[tilespmem:s2], [sflag:$0x2] =	stream.linear.gather [hbm4b:s0+s2], $0x100, $0x38;
	[tilespmem:$0x18100] =	vst v63  }
0x28: {  	_ =	swait.ge [sflag:s7], $0x100  }
0x29: {  	[sflag:s7] =	ssyncset.done $0x0  }
0x2a: {  	[sflag:s7] =	ssyncadd.s32 $0xFFFFFF00  }
0x2b: {  	v3 =	vld [tilespmem:$0x0];
	_ =	sdelay $0x4  }
0x2c: {  	v4 =	vshrl.u32 v3, $0x3  }
0x2d: {  	v4 =	vmul.u32 $0x30, v4  }
0x2e: {  	v3 =	vand.u32 $0x7, v3  }
0x2f: {  	v3 =	vor.u32 v3, v4  }
0x30: {  	v4 =	vperm.xlane v3, v0;
	_ =	sdelay $0x1  }
0x31: {  	v4 =	vadd.s32 v1, v4;
	_ =	sdelay $0x3  }
0x32: {  	v3 =	vperm.xlane v3, v2  }
0x33: {  	[tilespmem:s8], [sflag:$0x1] =	stream.indirect_vreg.gather [hbm4b:s3+s2], $0x80, v4, vm0, $0xb8;
	[tilespmem:$0x18100] =	vst v63  }
0x34: {  	s0 =	rddreg [dreg:$0x5];
	v3 =	vadd.s32 v1, v3  }
0x35: {  	[tilespmem:s0], [sflag:$0x1] =	stream.indirect_vreg.gather [hbm4b:s4+s2], $0x80, v4, vm0, $0xb8;
	[tilespmem:$0x18100] =	vst v63  }
0x36: {  	s10 =	rddreg [dreg:$0x6]  }
0x37: {  	[tilespmem:s10], [sflag:$0x1] =	stream.indirect_vreg.gather [hbm4b:s5+s2], $0x80, v4, vm0, $0xb8;
	[tilespmem:$0x18100] =	vst v63  }
0x38: {  	s0 =	rddreg [dreg:$0x7]  }
0x39: {  	[tilespmem:s0], [sflag:$0x1] =	stream.indirect_vreg.gather [hbm4b:s3+s2], $0x80, v3, vm0, $0xb8;
	[tilespmem:$0x18100] =	vst v63  }
0x3a: {  	s10 =	rddreg [dreg:$0x8]  }
0x3b: {  	[tilespmem:s10], [sflag:$0x1] =	stream.indirect_vreg.gather [hbm4b:s4+s2], $0x80, v3, vm0, $0xb8;
	[tilespmem:$0x18100] =	vst v63  }
0x3c: {  	s0 =	rddreg [dreg:$0x9]  }
0x3d: {  	[tilespmem:s0], [sflag:$0x1] =	stream.indirect_vreg.gather [hbm4b:s5+s2], $0x80, v3, vm0, $0xb8;
	[tilespmem:$0x18100] =	vst v63  }
0x3e: {  	v3 =	vld [tilespmem:$0x10];
	_ =	sdelay $0x4  }
0x3f: {  	v57 =	vshrl.u32 v3, $0x3  }
0x40: {  	v4 =	vmul.u32 $0x30, v57  }
0x41: {  	v3 =	vand.u32 $0x7, v3  }
0x42: {  	v3 =	vor.u32 v3, v4  }
0x43: {  	v4 =	vperm.xlane v3, v0;
	_ =	sdelay $0x1  }
0x44: {  	v4 =	vadd.s32 v1, v4;
	_ =	sdelay $0x3  }
0x45: {  	s0 =	rddreg [dreg:$0xa];
	v3 =	vperm.xlane v3, v2  }
0x46: {  	[tilespmem:s0], [sflag:$0x1] =	stream.indirect_vreg.gather [hbm4b:s3+s2], $0x80, v4, vm0, $0xb8;
	[tilespmem:$0x18100] =	vst v63  }
0x47: {  	s10 =	rddreg [dreg:$0xb];
	v3 =	vadd.s32 v1, v3  }
0x48: {  	[tilespmem:s10], [sflag:$0x1] =	stream.indirect_vreg.gather [hbm4b:s4+s2], $0x80, v4, vm0, $0xb8;
	[tilespmem:$0x18100] =	vst v63  }
0x49: {  	s0 =	rddreg [dreg:$0xc]  }
0x4a: {  	[tilespmem:s0], [sflag:$0x1] =	stream.indirect_vreg.gather [hbm4b:s5+s2], $0x80, v4, vm0, $0xb8;
	[tilespmem:$0x18100] =	vst v63  }
0x4b: {  	s10 =	rddreg [dreg:$0xd]  }
0x4c: {  	[tilespmem:s10], [sflag:$0x1] =	stream.indirect_vreg.gather [hbm4b:s3+s2], $0x80, v3, vm0, $0xb8;
	[tilespmem:$0x18100] =	vst v63  }
0x4d: {  	s0 =	rddreg [dreg:$0xe]  }
0x4e: {  	[tilespmem:s0], [sflag:$0x1] =	stream.indirect_vreg.gather [hbm4b:s4+s2], $0x80, v3, vm0, $0xb8;
	[tilespmem:$0x18100] =	vst v63  }
0x4f: {  	s10 =	rddreg [dreg:$0xf]  }
0x50: {  	[tilespmem:s10], [sflag:$0x1] =	stream.indirect_vreg.gather [hbm4b:s5+s2], $0x80, v3, vm0, $0xb8;
	[tilespmem:$0x18100] =	vst v63  }
0x51: {  	v3 =	vld [tilespmem:$0x20];
	_ =	sdelay $0x4  }
0x52: {  	v58 =	vshrl.u32 v3, $0x3  }
0x53: {  	v4 =	vmul.u32 $0x30, v58  }
0x54: {  	v3 =	vand.u32 $0x7, v3  }
0x55: {  	v3 =	vor.u32 v3, v4  }
0x56: {  	v4 =	vperm.xlane v3, v0;
	_ =	sdelay $0x1  }
0x57: {  	v4 =	vadd.s32 v1, v4;
	_ =	sdelay $0x3  }
0x58: {  	s0 =	rddreg [dreg:$0x10];
	v3 =	vperm.xlane v3, v2  }
0x59: {  	[tilespmem:s0], [sflag:$0x1] =	stream.indirect_vreg.gather [hbm4b:s3+s2], $0x80, v4, vm0, $0xb8;
	[tilespmem:$0x18100] =	vst v63  }
0x5a: {  	s10 =	rddreg [dreg:$0x11];
	v3 =	vadd.s32 v1, v3  }
0x5b: {  	[tilespmem:s10], [sflag:$0x1] =	stream.indirect_vreg.gather [hbm4b:s4+s2], $0x80, v4, vm0, $0xb8;
	[tilespmem:$0x18100] =	vst v63  }
0x5c: {  	s0 =	rddreg [dreg:$0x12]  }
0x5d: {  	[tilespmem:s0], [sflag:$0x1] =	stream.indirect_vreg.gather [hbm4b:s5+s2], $0x80, v4, vm0, $0xb8;
	[tilespmem:$0x18100] =	vst v63  }
0x5e: {  	s10 =	rddreg [dreg:$0x13]  }
0x5f: {  	[tilespmem:s10], [sflag:$0x1] =	stream.indirect_vreg.gather [hbm4b:s3+s2], $0x80, v3, vm0, $0xb8;
	[tilespmem:$0x18100] =	vst v63  }
0x60: {  	s0 =	rddreg [dreg:$0x14]  }
0x61: {  	[tilespmem:s0], [sflag:$0x1] =	stream.indirect_vreg.gather [hbm4b:s4+s2], $0x80, v3, vm0, $0xb8;
	[tilespmem:$0x18100] =	vst v63  }
0x62: {  	s10 =	rddreg [dreg:$0x15]  }
0x63: {  	[tilespmem:s10], [sflag:$0x1] =	stream.indirect_vreg.gather [hbm4b:s5+s2], $0x80, v3, vm0, $0xb8;
	[tilespmem:$0x18100] =	vst v63  }
0x64: {  	v3 =	vld [tilespmem:$0x30];
	_ =	sdelay $0x4  }
0x65: {  	v59 =	vshrl.u32 v3, $0x3  }
0x66: {  	v4 =	vmul.u32 $0x30, v59  }
0x67: {  	v3 =	vand.u32 $0x7, v3  }
0x68: {  	v3 =	vor.u32 v3, v4  }
0x69: {  	v4 =	vperm.xlane v3, v0;
	_ =	sdelay $0x1  }
0x6a: {  	v4 =	vadd.s32 v1, v4;
	_ =	sdelay $0x3  }
0x6b: {  	s0 =	rddreg [dreg:$0x16];
	v3 =	vperm.xlane v3, v2  }
0x6c: {  	[tilespmem:s0], [sflag:$0x1] =	stream.indirect_vreg.gather [hbm4b:s3+s2], $0x80, v4, vm0, $0xb8;
	[tilespmem:$0x18100] =	vst v63  }
0x6d: {  	s10 =	rddreg [dreg:$0x17];
	v3 =	vadd.s32 v1, v3  }
0x6e: {  	[tilespmem:s10], [sflag:$0x1] =	stream.indirect_vreg.gather [hbm4b:s4+s2], $0x80, v4, vm0, $0xb8;
	[tilespmem:$0x18100] =	vst v63  }
0x6f: {  	s0 =	rddreg [dreg:$0x18]  }
0x70: {  	[tilespmem:s0], [sflag:$0x1] =	stream.indirect_vreg.gather [hbm4b:s5+s2], $0x80, v4, vm0, $0xb8;
	[tilespmem:$0x18100] =	vst v63  }
0x71: {  	s10 =	rddreg [dreg:$0x19]  }
0x72: {  	[tilespmem:s10], [sflag:$0x1] =	stream.indirect_vreg.gather [hbm4b:s3+s2], $0x80, v3, vm0, $0xb8;
	[tilespmem:$0x18100] =	vst v63  }
0x73: {  	s0 =	rddreg [dreg:$0x1a]  }
0x74: {  	[tilespmem:s0], [sflag:$0x1] =	stream.indirect_vreg.gather [hbm4b:s4+s2], $0x80, v3, vm0, $0xb8;
	[tilespmem:$0x18100] =	vst v63  }
0x75: {  	s10 =	rddreg [dreg:$0x1b]  }
0x76: {  	[tilespmem:s10], [sflag:$0x1] =	stream.indirect_vreg.gather [hbm4b:s5+s2], $0x80, v3, vm0, $0xb8;
	[tilespmem:$0x18100] =	vst v63  }
0x77: {  	v3 =	vld [tilespmem:$0x80];
	_ =	sdelay $0x4  }
0x78: {  	v60 =	vshrl.u32 v3, $0x3  }
0x79: {  	v4 =	vmul.u32 $0x30, v60  }
0x7a: {  	v3 =	vand.u32 $0x7, v3  }
0x7b: {  	v3 =	vor.u32 v3, v4  }
0x7c: {  	v4 =	vperm.xlane v3, v0;
	_ =	sdelay $0x1  }
0x7d: {  	v4 =	vadd.s32 v1, v4;
	_ =	sdelay $0x3  }
0x7e: {  	v3 =	vperm.xlane v3, v2  }
0x7f: {  	[tilespmem:s9], [sflag:$0x1] =	stream.indirect_vreg.gather [hbm4b:s3+s2], $0x80, v4, vm0, $0xb8;
	[tilespmem:$0x18100] =	vst v63  }
0x80: {  	s0 =	rddreg [dreg:$0x1c];
	v3 =	vadd.s32 v1, v3  }
0x81: {  	[tilespmem:s0], [sflag:$0x1] =	stream.indirect_vreg.gather [hbm4b:s4+s2], $0x80, v4, vm0, $0xb8;
	[tilespmem:$0x18100] =	vst v63  }
0x82: {  	s10 =	rddreg [dreg:$0x1d]  }
0x83: {  	[tilespmem:s10], [sflag:$0x1] =	stream.indirect_vreg.gather [hbm4b:s5+s2], $0x80, v4, vm0, $0xb8;
	[tilespmem:$0x18100] =	vst v63  }
0x84: {  	s10 =	simm.s32 $0xD900  }
0x85: {  	[tilespmem:s10], [sflag:$0x1] =	stream.indirect_vreg.gather [hbm4b:s3+s2], $0x80, v3, vm0, $0xb8;
	[tilespmem:$0x18100] =	vst v63  }
0x86: {  	_ = 	snop  }
0x87: {  	[tilespmem:s11], [sflag:$0x1] =	stream.indirect_vreg.gather [hbm4b:s4+s2], $0x80, v3, vm0, $0xb8;
	[tilespmem:$0x18100] =	vst v63  }
0x88: {  	_ = 	snop  }
0x89: {  	[tilespmem:s12], [sflag:$0x1] =	stream.indirect_vreg.gather [hbm4b:s5+s2], $0x80, v3, vm0, $0xb8;
	[tilespmem:$0x18100] =	vst v63  }
0x8a: {  	v3 =	vld [tilespmem:$0x90];
	_ =	sdelay $0x4  }
0x8b: {  	v61 =	vshrl.u32 v3, $0x3  }
0x8c: {  	v4 =	vmul.u32 $0x30, v61  }
0x8d: {  	v3 =	vand.u32 $0x7, v3  }
0x8e: {  	v3 =	vor.u32 v3, v4  }
0x8f: {  	v4 =	vperm.xlane v3, v0;
	_ =	sdelay $0x1  }
0x90: {  	v4 =	vadd.s32 v1, v4;
	_ =	sdelay $0x3  }
0x91: {  	v3 =	vperm.xlane v3, v2  }
0x92: {  	[tilespmem:s13], [sflag:$0x1] =	stream.indirect_vreg.gather [hbm4b:s3+s2], $0x80, v4, vm0, $0xb8;
	[tilespmem:$0x18100] =	vst v63  }
0x93: {  	v3 =	vadd.s32 v1, v3  }
0x94: {  	[tilespmem:s14], [sflag:$0x1] =	stream.indirect_vreg.gather [hbm4b:s4+s2], $0x80, v4, vm0, $0xb8;
	[tilespmem:$0x18100] =	vst v63  }
0x95: {  	_ = 	snop  }
0x96: {  	[tilespmem:s15], [sflag:$0x1] =	stream.indirect_vreg.gather [hbm4b:s5+s2], $0x80, v4, vm0, $0xb8;
	[tilespmem:$0x18100] =	vst v63  }
0x97: {  	_ = 	snop  }
0x98: {  	[tilespmem:s16], [sflag:$0x1] =	stream.indirect_vreg.gather [hbm4b:s3+s2], $0x80, v3, vm0, $0xb8;
	[tilespmem:$0x18100] =	vst v63  }
0x99: {  	_ = 	snop  }
0x9a: {  	[tilespmem:s17], [sflag:$0x1] =	stream.indirect_vreg.gather [hbm4b:s4+s2], $0x80, v3, vm0, $0xb8;
	[tilespmem:$0x18100] =	vst v63  }
0x9b: {  	_ = 	snop  }
0x9c: {  	[tilespmem:s18], [sflag:$0x1] =	stream.indirect_vreg.gather [hbm4b:s5+s2], $0x80, v3, vm0, $0xb8;
	[tilespmem:$0x18100] =	vst v63  }
0x9d: {  	v3 =	vld [tilespmem:$0xA0];
	_ =	sdelay $0x4  }
0x9e: {  	v62 =	vshrl.u32 v3, $0x3  }
0x9f: {  	v4 =	vmul.u32 $0x30, v62  }
0xa0: {  	v3 =	vand.u32 $0x7, v3  }
0xa1: {  	v3 =	vor.u32 v3, v4  }
0xa2: {  	v4 =	vperm.xlane v3, v0;
	_ =	sdelay $0x1  }
0xa3: {  	v4 =	vadd.s32 v1, v4;
	_ =	sdelay $0x3  }
0xa4: {  	v3 =	vperm.xlane v3, v2  }
0xa5: {  	[tilespmem:s19], [sflag:$0x1] =	stream.indirect_vreg.gather [hbm4b:s3+s2], $0x80, v4, vm0, $0xb8;
	[tilespmem:$0x18100] =	vst v63  }
0xa6: {  	v3 =	vadd.s32 v1, v3  }
0xa7: {  	[tilespmem:s20], [sflag:$0x1] =	stream.indirect_vreg.gather [hbm4b:s4+s2], $0x80, v4, vm0, $0xb8;
	[tilespmem:$0x18100] =	vst v63  }
0xa8: {  	_ = 	snop  }
0xa9: {  	[tilespmem:s21], [sflag:$0x1] =	stream.indirect_vreg.gather [hbm4b:s5+s2], $0x80, v4, vm0, $0xb8;
	[tilespmem:$0x18100] =	vst v63  }
0xaa: {  	_ = 	snop  }
0xab: {  	[tilespmem:s22], [sflag:$0x1] =	stream.indirect_vreg.gather [hbm4b:s3+s2], $0x80, v3, vm0, $0xb8;
	[tilespmem:$0x18100] =	vst v63  }
0xac: {  	_ = 	snop  }
0xad: {  	[tilespmem:s23], [sflag:$0x1] =	stream.indirect_vreg.gather [hbm4b:s4+s2], $0x80, v3, vm0, $0xb8;
	[tilespmem:$0x18100] =	vst v63  }
0xae: {  	_ = 	snop  }
0xaf: {  	[tilespmem:s24], [sflag:$0x1] =	stream.indirect_vreg.gather [hbm4b:s5+s2], $0x80, v3, vm0, $0xb8;
	[tilespmem:$0x18100] =	vst v63  }
0xb0: {  	v3 =	vld [tilespmem:$0xB0];
	_ =	sdelay $0x4  }
0xb1: {  	v63 =	vshrl.u32 v3, $0x3  }
0xb2: {  	v4 =	vmul.u32 $0x30, v63  }
0xb3: {  	v3 =	vand.u32 $0x7, v3  }
0xb4: {  	v3 =	vor.u32 v3, v4  }
0xb5: {  	v4 =	vperm.xlane v3, v0;
	_ =	sdelay $0x1  }
0xb6: {  	v4 =	vadd.s32 v1, v4;
	_ =	sdelay $0x3  }
0xb7: {  	v3 =	vperm.xlane v3, v2  }
0xb8: {  	[tilespmem:s25], [sflag:$0x1] =	stream.indirect_vreg.gather [hbm4b:s3+s2], $0x80, v4, vm0, $0xb8;
	[tilespmem:$0x18100] =	vst v63  }
0xb9: {  	v3 =	vadd.s32 v1, v3  }
0xba: {  	[tilespmem:s26], [sflag:$0x1] =	stream.indirect_vreg.gather [hbm4b:s4+s2], $0x80, v4, vm0, $0xb8;
	[tilespmem:$0x18100] =	vst v63  }
0xbb: {  	_ = 	snop  }
0xbc: {  	[tilespmem:s28], [sflag:$0x1] =	stream.indirect_vreg.gather [hbm4b:s5+s2], $0x80, v4, vm0, $0xb8;
	[tilespmem:$0x18100] =	vst v63  }
0xbd: {  	_ = 	snop  }
0xbe: {  	[tilespmem:s29], [sflag:$0x1] =	stream.indirect_vreg.gather [hbm4b:s3+s2], $0x80, v3, vm0, $0xb8;
	[tilespmem:$0x18100] =	vst v63  }
0xbf: {  	_ = 	snop  }
0xc0: {  	[tilespmem:s30], [sflag:$0x1] =	stream.indirect_vreg.gather [hbm4b:s4+s2], $0x80, v3, vm0, $0xb8;
	[tilespmem:$0x18100] =	vst v63  }
0xc1: {  	_ = 	snop  }
0xc2: {  	[tilespmem:s31], [sflag:$0x1] =	stream.indirect_vreg.gather [hbm4b:s5+s2], $0x80, v3, vm0, $0xb8;
	[tilespmem:$0x18100] =	vst v63  }
0xc3: {  	_ =	swait.ge [sflag:s1], $0xC000  }
0xc4: {  	[sflag:s1] =	ssyncset.done $0x0  }
0xc5: {  	[sflag:s1] =	ssyncadd.s32 $0xFFFF4000  }
0xc6: {  	_ =	swait.ge [sflag:s1], $0xC000  }
0xc7: {  	[sflag:s1] =	ssyncset.done $0x0  }
0xc8: {  	s10 =	rddreg [dreg:$0x3];
	[sflag:s1] =	ssyncadd.s32 $0xFFFF4000  }
0xc9: {  	[hbm4b:s10+s2] =	stream.linear.scatter [tilespmem:s8], [sflag:$0x2], $0xC000, $0x38;
	[tilespmem:$0x18100] =	vst v63  }
0xca: {  	_ =	swait.ge [sflag:s7], $0xC000  }
0xcb: {  	p0 =	sne.s32 s6, $0x1;
	[sflag:s7] =	ssyncset.done $0x0  }
.Ltmp0:
0xcc: {  	s10 =	rddreg [dreg:$0x4];
	[sflag:s7] =	ssyncadd.s32 $0xFFFF4000;
	(pc) =	sbr.rel @p0 .LBB2_1-.Ltmp0, $4  }
0xcd: {  	[hbm4b:s10+s2] =	stream.linear.scatter [tilespmem:s9], [sflag:$0x2], $0xC000, $0x38;
	[tilespmem:$0x18100] =	vst v63  }
0xce: {  	_ =	swait.ge [sflag:s7], $0xC000  }
0xcf: {  	[sflag:s7] =	ssyncset.done $0x0  }
0xd0: {  	s6 =	sadd.s32 $0xFFFFFFFF, s6;
	[sflag:s7] =	ssyncadd.s32 $0xFFFF4000  }
0xd1: {  	_ =	sfence.sel $0x180000  }
0xd2: {  	[bflag:$0x0] =	sbarrier.arrive $0xFFFF  }
0xd3: {  	_ =	strace $0x9000004A  }
0xd4: {  	s0 =	stileid.u32;
	[bflag:$0x2] =	sbarrier.arrive $0xFFFF  }
0xd5: {  	p0 =	sne.s32 s0, $0x0;
	s0 =	rddreg [dreg:$0x1]  }
0xd6: {  	s0 =	sadd.s32 @!p0 $0x100000, s0  }
0xd7: {  	[sflag:s0] =	ssyncadd.tile.s32 @!p0 $0x1;
	_ =	shalt  }
.Lfunc_end2:
_tile_overlayer_lowered:
.L_overlay_start_2:
0xd8: {  	(tag) =	ssettag $0x2  }
0xd9: {  	s0 =	rddreg [dreg:$0x0];
	s2 =	stileid.u32  }
0xda: {  	s1 =	rddreg [dreg:$0x1];
	p0 =	sne.s32 s2, $0x0  }
0xdb: {  	s3 =	rddreg [dreg:$0x2];
	[bflag:$0x3] =	sbarrier.arrive $0xFFFF;
	s2 =	simm.s32 @!p0 $0x1C02  }
0xdc: {  	[timem:s3], [sflag:s2] =	dma.local @!p0 [hbm:s0], s1  }
0xdd: {  	s0 =	simm.s32 @!p0 $0x2  }
0xde: {  	_ =	swait.ge @!p0 [sflag:s0], s1  }
0xdf: {  	s1 =	ssub.s32 @!p0 $0x0, s1;
	[sflag:s0] =	ssyncset.done @!p0 $0x0  }
0xe0: {  	[sflag:s0] =	ssyncadd.s32 @!p0 s1  }
0xe1: {  	[bflag:$0x3] =	sbarrier.arrive $0xFFFF  }
0xe2: {  	_ =	shalt  }

// kernel: kernel.9.cloned.1.call-start
scs
__scs_entry_jumppad:
0x0: {  	(pc) =	sbr.rel $0x88, $3  }
0x1: {  	(tag) =	ssettag $0x0;
	lr =	simm.s32 $0x1  }
0x2: {  	[smem:$0x3F96] =	sst lr;
	_ =	strace $0xD0000000  }
0x3: {  	_ = 	snop  }
0x4: {  	_ = 	snop  }
0x5: {  	_ = 	snop  }
0x6: {  	_ = 	snop  }
0x7: {  	_ = 	snop  }
__scs_overlays_trampoline_lowered:
0x8: {  	[smem:$0x3FA5] =	sst s0  }
0x9: {  	[smem:$0x3FA6] =	sst s1  }
0xa: {  	[smem:$0x3FA7] =	sst s2  }
0xb: {  	[smem:$0x3FA8] =	sst s3  }
0xc: {  	[smem:$0x3FA9] =	sst s4  }
0xd: {  	[smem:$0x3FAA] =	sst s5  }
0xe: {  	[smem:$0x3FAB] =	sst s6  }
0xf: {  	[smem:$0x3FAC] =	sst s7  }
0x10: {  	[smem:$0x3FAD] =	sst s8  }
0x11: {  	[smem:$0x3FAE] =	sst s9;
	s0 =	simm.s32 @!p0 $0x0  }
0x12: {  	s1 =	sld [smem:$0x3F94];
	s0 =	simm.s32 @p0 $0x1  }
0x13: {  	[smem:$0x3FAF] =	sst s0;
	s0 =	simm.s32 @!p1 $0x0  }
0x14: {  	s2 =	sld [smem:$0x3F93];
	s0 =	simm.s32 @p1 $0x1  }
0x15: {  	[smem:$0x3FB0] =	sst s0;
	s0 =	simm.s32 @!p2 $0x0  }
0x16: {  	s3 =	sld [smem:$0x3FDB];
	s0 =	simm.s32 @p2 $0x1  }
0x17: {  	s4 =	simm.s32 $0x1BF5;
	[smem:$0x3FB2] =	sst s0  }
0x18: {  	s0 =	sld [smem:$0x3F95];
	_ =	swait.ge [sflag:s4], $0x0  }
0x19: {  	s7 =	sld [smem:$0x3F96]  }
0x1a: {  	s8 =	sadd.s32 $0xFFFFE003, lr  }
0x1b: {  	s9 =	sadd.s32 $0xFFFFFEF7, lr;
	s5 =	simm.s32 $0xFFFFFFFF;
	p2 =	slt.u32 s8, $0xFFFFF086  }
0x1c: {  	p1 =	slt.u32 s9, $0xF7A;
	s5 =	simm.s32 @!p2 $0x0  }
0x1d: {  	s5 =	simm.s32 @p1 $0x1;
	p0 =	seq.s32 s7, s2  }
0x1e: {  	s7 =	smul.u32 @!p0 $0xF7A, s2;
	p2 =	seq.s32 @!p0 s5, $0x0  }
0x1f: {  	s9 =	smul.u32 $0xF7A, s1;
	s8 =	simm.s32 @!p0 $0x1BF5;
	p2 =	por !p2, p0  }
0x20: {  	[sflag:s8] =	ssyncset.s32 @!p0 $0xFFFFF086;
	s6 =	sadd.s32 @!p0 s3, s7;
	s7 =	simm.s32 @!p0 $0x108  }
0x21: {  	s3 =	sadd.s32 s3, s9;
	s6 =	sadd.s32 @!p0 $0x88, s6;
	s7 =	simm.s32 @p2 $0x1082  }
0x22: {  	[simem:s7], [sflag:s8] =	dma.local @!p0 [hbm:s6], $0xF7A  }
0x23: {  	s9 =	sor.u32 $0xD0000000, s2;
	s6 =	simm.s32 $0x108;
	_ =	swait.ge @!p0 [sflag:s8], $0x0  }
0x24: {  	s3 =	sadd.s32 $0x88, s3;
	s6 =	simm.s32 @!p1 $0x1082;
	[sflag:s4] =	ssyncset.s32 $0xFFFFF086  }
0x25: {  	[simem:s6], [sflag:s4] =	dma.local [hbm:s3], $0xF7A  }
0x26: {  	[smem:$0x3F96] =	sst s1;
	(tag) =	ssettag s2;
	_ =	strace s9  }
0x27: {  	s1 =	sld [smem:$0x3FA6]  }
0x28: {  	s2 =	sld [smem:$0x3FA7]  }
0x29: {  	s4 =	sld [smem:$0x3FA9]  }
0x2a: {  	p0 =	seq.s32 s5, $0x0;
	s5 =	sld [smem:$0x3FAA]  }
0x2b: {  	s6 =	sld [smem:$0x3FAB]  }
0x2c: {  	s7 =	sld [smem:$0x3FAC]  }
0x2d: {  	s3 =	simm.s32 $0x108;
	s8 =	sld [smem:$0x3FAD]  }
0x2e: {  	s3 =	simm.s32 @!p0 $0x1082;
	s9 =	sld [smem:$0x3FAE]  }
0x2f: {  	lr =	sadd.s32 s0, s3;
	s0 =	sld [smem:$0x3FA5]  }
0x30: {  	s3 =	sld [smem:$0x3FA8]  }
0x31: {  	[smem:$0x3FB1] =	sst s10  }
0x32: {  	s10 =	sld [smem:$0x3FAF];
	_ =	sdelay $0x3  }
0x33: {  	p0 =	seq.s32 s10, $0x1;
	s10 =	sld [smem:$0x3FB1];
	_ =	sdelay $0x3  }
0x34: {  	[smem:$0x3FB1] =	sst s10  }
0x35: {  	s10 =	sld [smem:$0x3FB0];
	_ =	sdelay $0x3  }
0x36: {  	p1 =	seq.s32 s10, $0x1;
	s10 =	sld [smem:$0x3FB1];
	_ =	sdelay $0x3  }
0x37: {  	[smem:$0x3FB1] =	sst s10  }
0x38: {  	s10 =	sld [smem:$0x3FB2]  }
0x39: {  	_ = 	snop;
	(pc) =	sbr.ind lr, $3  }
0x3a: {  	_ = 	snop  }
0x3b: {  	_ = 	snop  }
0x3c: {  	p2 =	seq.s32 s10, $0x1;
	s10 =	sld [smem:$0x3FB1]  }
0x3d: {  	_ =	shalt  }
0x3e: {  	_ =	shalt  }
0x3f: {  	_ =	shalt  }
0x40: {  	_ =	shalt  }
0x41: {  	_ =	shalt  }
0x42: {  	_ =	shalt  }
0x43: {  	_ =	shalt  }
0x44: {  	_ =	shalt  }
0x45: {  	_ =	shalt  }
0x46: {  	_ =	shalt  }
0x47: {  	_ =	shalt  }
0x48: {  	_ =	shalt  }
0x49: {  	_ =	shalt  }
0x4a: {  	_ =	shalt  }
0x4b: {  	_ =	shalt  }
0x4c: {  	_ =	shalt  }
0x4d: {  	_ =	shalt  }
0x4e: {  	_ =	shalt  }
0x4f: {  	_ =	shalt  }
0x50: {  	_ =	shalt  }
0x51: {  	_ =	shalt  }
0x52: {  	_ =	shalt  }
0x53: {  	_ =	shalt  }
0x54: {  	_ =	shalt  }
0x55: {  	_ =	shalt  }
0x56: {  	_ =	shalt  }
0x57: {  	_ =	shalt  }
0x58: {  	_ =	shalt  }
0x59: {  	_ =	shalt  }
0x5a: {  	_ =	shalt  }
0x5b: {  	_ =	shalt  }
0x5c: {  	_ =	shalt  }
0x5d: {  	_ =	shalt  }
0x5e: {  	_ =	shalt  }
0x5f: {  	_ =	shalt  }
0x60: {  	_ =	shalt  }
0x61: {  	_ =	shalt  }
0x62: {  	_ =	shalt  }
0x63: {  	_ =	shalt  }
0x64: {  	_ =	shalt  }
0x65: {  	_ =	shalt  }
0x66: {  	_ =	shalt  }
0x67: {  	_ =	shalt  }
0x68: {  	_ =	shalt  }
0x69: {  	_ =	shalt  }
0x6a: {  	_ =	shalt  }
0x6b: {  	_ =	shalt  }
0x6c: {  	_ =	shalt  }
0x6d: {  	_ =	shalt  }
0x6e: {  	_ =	shalt  }
0x6f: {  	_ =	shalt  }
0x70: {  	_ =	shalt  }
0x71: {  	_ =	shalt  }
0x72: {  	_ =	shalt  }
0x73: {  	_ =	shalt  }
0x74: {  	_ =	shalt  }
0x75: {  	_ =	shalt  }
0x76: {  	_ =	shalt  }
0x77: {  	_ =	shalt  }
0x78: {  	_ =	shalt  }
0x79: {  	_ =	shalt  }
0x7a: {  	_ =	shalt  }
0x7b: {  	_ =	shalt  }
0x7c: {  	_ =	shalt  }
0x7d: {  	_ =	shalt  }
0x7e: {  	_ =	shalt  }
0x7f: {  	_ =	shalt  }
0x80: {  	_ =	shalt  }
0x81: {  	_ =	shalt  }
0x82: {  	_ =	shalt  }
0x83: {  	_ =	shalt  }
0x84: {  	_ =	shalt  }
0x85: {  	_ =	shalt  }
0x86: {  	_ =	shalt  }
0x87: {  	_ =	shalt  }
.Lfunc_end0:
.L_simem_size_0:
called_computation_lowered:
.L_overlay_start_0:
0x88: {  	s2 =	sld [smem:$0x3FD9]  }
0x89: {  	s3 =	sld [smem:$0x3FFE];
	_ =	sdelay $0x1  }
0x8a: {  	s1 =	srdreg.scid  }
0x8b: {  	s0 =	sand.u32 $0x1, s1  }
0x8c: {  	s17 =	sshll.u32 s0, $0xA;
	s2 =	sadd.s32 s3, s2  }
0x8d: {  	s2 =	sadd.s32 s2, s17  }
0x8e: {  	[smem:$0x3FBD] =	sst s2  }
0x8f: {  	_ = 	snop  }
0x90: {  	s2 =	sld [smem:$0x3FD0];
	(tm) =	ssettm $0x1  }
0x91: {  	s18 =	sld [smem:$0x3FFB];
	_ =	sdelay $0x3  }
0x92: {  	_ =	strace s18  }
0x93: {  	s3 =	sld [smem:$0x3FFC];
	_ =	sdelay $0x3  }
0x94: {  	_ =	strace s3  }
0x95: {  	s3 =	sld [smem:$0x3FFD];
	_ =	sdelay $0x3  }
0x96: {  	_ =	strace s3  }
0x97: {  	_ =	strace $0x8FFFFFFF  }
0x98: {  	s19 =	sld [smem:$0x3FDB];
	_ =	sdelay $0x1  }
0x99: {  	s4 =	simm.s32 $_scs_section_size  }
0x9a: {  	s5 =	simm.s32 $_size__tile_overlayer_lowered;
	s6 =	simm.s32 $_tile_overlayer_lowered  }
0x9b: {  	s22 =	simm.s32 $0x1BFF;
	s21 =	sshll.u32 s6, $0x1;
	s3 =	sadd.s32 s4, s19  }
0x9c: {  	s7 =	simm.s32 $0x0;
	s20 =	sshll.u32 s5, $0x1;
	s5 =	sadd.s32 s21, s3  }
0x9d: {  	[timem:s7], [sflag:s22] =	dma.local [hbm:s5], s20  }
0x9e: {  	_ =	swait.ge [sflag:s22], s20  }
0x9f: {  	s4 =	ssub.s32 $0x0, s20;
	[sflag:s22] =	ssyncset.done $0x0  }
0xa0: {  	[sflag:s22] =	ssyncadd.s32 s4;
	_ =	sdelay $0x1  }
0xa1: {  	s23 =	simm.s32 $0x1B8B  }
0xa2: {  	_ =	swait.ge [sflag:s23], $0x1  }
0xa3: {  	[sflag:s23] =	ssyncset.done $0x0  }
0xa4: {  	s25 =	simm.s32 $0x1B8E;
	s24 =	sld [smem:$0x3FFE];
	[sflag:s23] =	ssyncadd.s32 $0xFFFFFFFF  }
0xa5: {  	s26 =	simm.s32 $execute0_lowered;
	[smem:$0x3FD2] =	sst s25  }
0xa6: {  	s5 =	sshll.u32 s26, $0x1;
	_ =	strace $0x80000046;
	[dreg:$0x1] =	wrdreg $0xFFFFFFFF  }
0xa7: {  	s28 =	simm.s32 $_size_execute0_lowered;
	s3 =	sadd.s32 s3, s5;
	[dreg:$0x0] =	wrdreg $0x0  }
0xa8: {  	s5 =	sshll.u32 s28, $0x1;
	[dreg:$0x2] =	wrdreg s3  }
0xa9: {  	[dreg:$0x3] =	wrdreg s5  }
0xaa: {  	[dreg:$0x4] =	wrdreg $0xC0  }
0xab: {  	_ =	task [dreg:s7], $0x5FFFF  }
0xac: {  	[dreg:$0x1] =	wrdreg $0xFFFFFFFF  }
0xad: {  	[dreg:$0x0] =	wrdreg $0x60  }
0xae: {  	[dreg:$0x2] =	wrdreg s2  }
0xaf: {  	[dreg:$0x3] =	wrdreg s24  }
0xb0: {  	[dreg:$0x4] =	wrdreg $0x9  }
0xb1: {  	_ =	task.clear_ibuf [dreg:s7], $0x5FFFF;
	_ =	strace $0x90000046  }
0xb2: {  	s29 =	simm.s32 $0x9;
	_ =	strace $0x80000048  }
0xb3: {  	_ =	swait.ge [sflag:s29], $0x1  }
0xb4: {  	[sflag:s29] =	ssyncadd.s32 $0xFFFFFFFF  }
0xb5: {  	_ =	strace $0x90000048  }
0xb6: {  	_ =	sfence  }
0xb7: {  	s30 =	sld [smem:$0x0];
	_ =	sdelay $0x2  }
0xb8: {  	s31 =	sshll.u32 s1, $0xD;
	s1 =	sshrl.u32 s1, $0x2  }
0xb9: {  	s3 =	sand.u32 $0x4000, s31;
	s1 =	sadd.s32 s1, s30  }
0xba: {  	s0 =	sor.u32 s3, s0;
	s1 =	sshll.u32 s1, $0x11  }
0xbb: {  	s0 =	sor.u32 s1, s0  }
0xbc: {  	s0 =	sadd.s32 $0x8F2B, s0  }
0xbd: {  	[sflag:s0] =	ssyncadd.remote.s32 $0x1  }
0xbe: {  	_ =	sfence.sel $0xFFFF  }
0xbf: {  	[dreg:$0x0] =	wrdreg $0xFFFFFFFF;
	(pc) =	sbr.abs _section_cstart, $3  }
0xc0: {  	[dreg:$0x1] =	wrdreg $0xFFFFFFFF  }
0xc1: {  	_ =	task.clear_ibuf [dreg:s7], $0x2FFFF;
	_ =	strace $0x9FFFFFFF  }
0xc2: {  	(tm) =	ssettm $0x7FFFFFFF  }
0xc3: {  	_ =	shalt  }
tec
execute0_lowered:
.L_overlay_start_1:
0x0: {  	(tag) =	ssettag $0x1  }
0x1: {  	s0 =	rddreg [dreg:$0x0]  }
0x2: {  	s1 =	rddreg [dreg:$0x1]  }
0x3: {  	s3 =	srdreg.scid;
	s4 =	stileid.u32  }
0x4: {  	s2 =	simm.s32 $0x0;
	s8 =	simm.s32 $0x100;
	s10 =	simm.s32 $0x1100  }
0x5: {  	s11 =	simm.s32 $0x1900;
	s12 =	simm.s32 $0x2100;
	s13 =	simm.s32 $0x2900  }
0x6: {  	s14 =	simm.s32 $0x3100;
	s15 =	simm.s32 $0x3900;
	s16 =	simm.s32 $0x4100  }
0x7: {  	s17 =	simm.s32 $0x4900;
	s18 =	simm.s32 $0x5100;
	s19 =	simm.s32 $0x5900  }
0x8: {  	s20 =	simm.s32 $0x6100;
	s21 =	simm.s32 $0x6900;
	s22 =	simm.s32 $0x7100  }
0x9: {  	s23 =	simm.s32 $0x7900;
	s24 =	simm.s32 $0x8100;
	s25 =	simm.s32 $0x8900  }
0xa: {  	s26 =	simm.s32 $0x9100;
	s28 =	simm.s32 $0x9900;
	s29 =	simm.s32 $0xA100  }
0xb: {  	s30 =	simm.s32 $0xA900;
	s3 =	sand.u32 $0x1, s3;
	s4 =	sshll.u32 s4, $0x1  }
0xc: {  	s31 =	simm.s32 $0xB100;
	[smem:$0x7FF] =	sst s2;
	s4 =	sor.u32 s3, s4  }
0xd: {  	_ =	strace $0x80000047;
	s6 =	ssub.s32 $0x2, s3;
	s5 =	sshll.u32 s4, $0x5  }
0xe: {  	s4 =	smul.u32 $0x1800, s4;
	s7 =	sshrl.u32 s6, $0x1;
	s5 =	sadd.s32 s5, s1  }
0xf: {  	s3 =	sadd.s32 $0x600, s1;
	s6 =	ssub.s32 s6, s7;
	s5 =	sadd.s32 $0x200, s5  }
0x10: {  	v2 =	vlaneseq.u32;
	s7 =	simm.s32 $0x2;
	s0 =	sadd.s32 s0, s4;
	[dreg:$0x3] =	wrdreg s5  }
0x11: {  	vm0 =	vmmov $0xffff;
	v1 =	vshrl.u32 v2, $0x3;
	s4 =	sadd.s32 $0x700, s1;
	s6 =	smax.u32 s6, $0x1;
	[dreg:$0x4] =	wrdreg s0  }
0x12: {  	v0 =	vand.u32 $0x7, v2;
	v2 =	vor.u32 $0x8, v2;
	v1 =	vmul.u32 $0x8, v1;
	s5 =	sadd.s32 $0x800, s1;
	s0 =	simm.s32 $0xB900;
	s1 =	simm.s32 $0x1  }
.LBB2_1:
0x13: {  	s9 =	rddreg [dreg:$0x3]  }
0x14: {  	[tilespmem:s2], [sflag:$0x2] =	stream.linear.gather [hbm4b:s9+s2], $0x100, $0x38;
	[tilespmem:$0xC100] =	vst v63  }
0x15: {  	_ =	swait.ge [sflag:s7], $0x100  }
0x16: {  	[sflag:s7] =	ssyncset.done $0x0  }
0x17: {  	s9 =	rddreg [dreg:$0x4];
	[sflag:s7] =	ssyncadd.s32 $0xFFFFFF00  }
0x18: {  	[tilespmem:s8], [sflag:$0x2] =	stream.linear.gather [hbm4b:s9+s2], $0xC000, $0x38;
	[tilespmem:$0xC100] =	vst v63  }
0x19: {  	_ =	swait.ge [sflag:s7], $0xC000  }
0x1a: {  	[sflag:s7] =	ssyncset.done $0x0  }
0x1b: {  	[sflag:s7] =	ssyncadd.s32 $0xFFFF4000  }
0x1c: {  	v3 =	vld [tilespmem:$0x0];
	_ =	sdelay $0x4  }
0x1d: {  	v4 =	vshrl.u32 v3, $0x3  }
0x1e: {  	v4 =	vmul.u32 $0x30, v4  }
0x1f: {  	v3 =	vand.u32 $0x7, v3  }
0x20: {  	v3 =	vor.u32 v3, v4  }
0x21: {  	v4 =	vperm.xlane v3, v0;
	_ =	sdelay $0x1  }
0x22: {  	v4 =	vadd.s32 v1, v4;
	_ =	sdelay $0x3  }
0x23: {  	v3 =	vperm.xlane v3, v2  }
0x24: {  	[hbm4b:s3+s2] =	stream.indirect_vreg.scatter [tilespmem:s8], [sflag:$0x1], $0x80, v4, vm0, $0xb8;
	[tilespmem:$0xC100] =	vst v63  }
0x25: {  	s9 =	simm.s32 $0x900;
	v3 =	vadd.s32 v1, v3  }
0x26: {  	[hbm4b:s4+s2] =	stream.indirect_vreg.scatter [tilespmem:s9], [sflag:$0x1], $0x80, v4, vm0, $0xb8;
	[tilespmem:$0xC100] =	vst v63  }
0x27: {  	_ = 	snop  }
0x28: {  	[hbm4b:s5+s2] =	stream.indirect_vreg.scatter [tilespmem:s10], [sflag:$0x1], $0x80, v4, vm0, $0xb8;
	[tilespmem:$0xC100] =	vst v63  }
0x29: {  	_ = 	snop  }
0x2a: {  	[hbm4b:s3+s2] =	stream.indirect_vreg.scatter [tilespmem:s11], [sflag:$0x1], $0x80, v3, vm0, $0xb8;
	[tilespmem:$0xC100] =	vst v63  }
0x2b: {  	_ = 	snop  }
0x2c: {  	[hbm4b:s4+s2] =	stream.indirect_vreg.scatter [tilespmem:s12], [sflag:$0x1], $0x80, v3, vm0, $0xb8;
	[tilespmem:$0xC100] =	vst v63  }
0x2d: {  	_ = 	snop  }
0x2e: {  	[hbm4b:s5+s2] =	stream.indirect_vreg.scatter [tilespmem:s13], [sflag:$0x1], $0x80, v3, vm0, $0xb8;
	[tilespmem:$0xC100] =	vst v63  }
0x2f: {  	v3 =	vld [tilespmem:$0x10];
	_ =	sdelay $0x4  }
0x30: {  	v57 =	vshrl.u32 v3, $0x3  }
0x31: {  	v4 =	vmul.u32 $0x30, v57  }
0x32: {  	v3 =	vand.u32 $0x7, v3  }
0x33: {  	v3 =	vor.u32 v3, v4  }
0x34: {  	v4 =	vperm.xlane v3, v0;
	_ =	sdelay $0x1  }
0x35: {  	v4 =	vadd.s32 v1, v4;
	_ =	sdelay $0x3  }
0x36: {  	v3 =	vperm.xlane v3, v2  }
0x37: {  	[hbm4b:s3+s2] =	stream.indirect_vreg.scatter [tilespmem:s14], [sflag:$0x1], $0x80, v4, vm0, $0xb8;
	[tilespmem:$0xC100] =	vst v63  }
0x38: {  	v3 =	vadd.s32 v1, v3  }
0x39: {  	[hbm4b:s4+s2] =	stream.indirect_vreg.scatter [tilespmem:s15], [sflag:$0x1], $0x80, v4, vm0, $0xb8;
	[tilespmem:$0xC100] =	vst v63  }
0x3a: {  	_ = 	snop  }
0x3b: {  	[hbm4b:s5+s2] =	stream.indirect_vreg.scatter [tilespmem:s16], [sflag:$0x1], $0x80, v4, vm0, $0xb8;
	[tilespmem:$0xC100] =	vst v63  }
0x3c: {  	_ = 	snop  }
0x3d: {  	[hbm4b:s3+s2] =	stream.indirect_vreg.scatter [tilespmem:s17], [sflag:$0x1], $0x80, v3, vm0, $0xb8;
	[tilespmem:$0xC100] =	vst v63  }
0x3e: {  	_ = 	snop  }
0x3f: {  	[hbm4b:s4+s2] =	stream.indirect_vreg.scatter [tilespmem:s18], [sflag:$0x1], $0x80, v3, vm0, $0xb8;
	[tilespmem:$0xC100] =	vst v63  }
0x40: {  	_ = 	snop  }
0x41: {  	[hbm4b:s5+s2] =	stream.indirect_vreg.scatter [tilespmem:s19], [sflag:$0x1], $0x80, v3, vm0, $0xb8;
	[tilespmem:$0xC100] =	vst v63  }
0x42: {  	v3 =	vld [tilespmem:$0x20];
	_ =	sdelay $0x4  }
0x43: {  	v58 =	vshrl.u32 v3, $0x3  }
0x44: {  	v4 =	vmul.u32 $0x30, v58  }
0x45: {  	v3 =	vand.u32 $0x7, v3  }
0x46: {  	v3 =	vor.u32 v3, v4  }
0x47: {  	v4 =	vperm.xlane v3, v0;
	_ =	sdelay $0x1  }
0x48: {  	v4 =	vadd.s32 v1, v4;
	_ =	sdelay $0x3  }
0x49: {  	v3 =	vperm.xlane v3, v2  }
0x4a: {  	[hbm4b:s3+s2] =	stream.indirect_vreg.scatter [tilespmem:s20], [sflag:$0x1], $0x80, v4, vm0, $0xb8;
	[tilespmem:$0xC100] =	vst v63  }
0x4b: {  	v3 =	vadd.s32 v1, v3  }
0x4c: {  	[hbm4b:s4+s2] =	stream.indirect_vreg.scatter [tilespmem:s21], [sflag:$0x1], $0x80, v4, vm0, $0xb8;
	[tilespmem:$0xC100] =	vst v63  }
0x4d: {  	_ = 	snop  }
0x4e: {  	[hbm4b:s5+s2] =	stream.indirect_vreg.scatter [tilespmem:s22], [sflag:$0x1], $0x80, v4, vm0, $0xb8;
	[tilespmem:$0xC100] =	vst v63  }
0x4f: {  	_ = 	snop  }
0x50: {  	[hbm4b:s3+s2] =	stream.indirect_vreg.scatter [tilespmem:s23], [sflag:$0x1], $0x80, v3, vm0, $0xb8;
	[tilespmem:$0xC100] =	vst v63  }
0x51: {  	_ = 	snop  }
0x52: {  	[hbm4b:s4+s2] =	stream.indirect_vreg.scatter [tilespmem:s24], [sflag:$0x1], $0x80, v3, vm0, $0xb8;
	[tilespmem:$0xC100] =	vst v63  }
0x53: {  	_ = 	snop  }
0x54: {  	[hbm4b:s5+s2] =	stream.indirect_vreg.scatter [tilespmem:s25], [sflag:$0x1], $0x80, v3, vm0, $0xb8;
	[tilespmem:$0xC100] =	vst v63  }
0x55: {  	v3 =	vld [tilespmem:$0x30];
	_ =	sdelay $0x4  }
0x56: {  	v59 =	vshrl.u32 v3, $0x3  }
0x57: {  	v4 =	vmul.u32 $0x30, v59  }
0x58: {  	v3 =	vand.u32 $0x7, v3  }
0x59: {  	v3 =	vor.u32 v3, v4  }
0x5a: {  	v4 =	vperm.xlane v3, v0;
	_ =	sdelay $0x1  }
0x5b: {  	v4 =	vadd.s32 v1, v4;
	_ =	sdelay $0x3  }
0x5c: {  	v3 =	vperm.xlane v3, v2  }
0x5d: {  	[hbm4b:s3+s2] =	stream.indirect_vreg.scatter [tilespmem:s26], [sflag:$0x1], $0x80, v4, vm0, $0xb8;
	[tilespmem:$0xC100] =	vst v63  }
0x5e: {  	v3 =	vadd.s32 v1, v3  }
0x5f: {  	[hbm4b:s4+s2] =	stream.indirect_vreg.scatter [tilespmem:s28], [sflag:$0x1], $0x80, v4, vm0, $0xb8;
	[tilespmem:$0xC100] =	vst v63  }
0x60: {  	_ = 	snop  }
0x61: {  	[hbm4b:s5+s2] =	stream.indirect_vreg.scatter [tilespmem:s29], [sflag:$0x1], $0x80, v4, vm0, $0xb8;
	[tilespmem:$0xC100] =	vst v63  }
0x62: {  	_ = 	snop  }
0x63: {  	[hbm4b:s3+s2] =	stream.indirect_vreg.scatter [tilespmem:s30], [sflag:$0x1], $0x80, v3, vm0, $0xb8;
	[tilespmem:$0xC100] =	vst v63  }
0x64: {  	_ = 	snop  }
0x65: {  	[hbm4b:s4+s2] =	stream.indirect_vreg.scatter [tilespmem:s31], [sflag:$0x1], $0x80, v3, vm0, $0xb8;
	[tilespmem:$0xC100] =	vst v63  }
0x66: {  	_ = 	snop  }
0x67: {  	[hbm4b:s5+s2] =	stream.indirect_vreg.scatter [tilespmem:s0], [sflag:$0x1], $0x80, v3, vm0, $0xb8;
	[tilespmem:$0xC100] =	vst v63  }
0x68: {  	v3 =	vld [tilespmem:$0x80];
	_ =	sdelay $0x4  }
0x69: {  	v60 =	vshrl.u32 v3, $0x3  }
0x6a: {  	v4 =	vmul.u32 $0x30, v60  }
0x6b: {  	v3 =	vand.u32 $0x7, v3  }
0x6c: {  	v3 =	vor.u32 v3, v4  }
0x6d: {  	v4 =	vperm.xlane v3, v0;
	_ =	sdelay $0x1  }
0x6e: {  	v4 =	vadd.s32 v1, v4;
	_ =	sdelay $0x3  }
0x6f: {  	v3 =	vperm.xlane v3, v2  }
0x70: {  	[hbm4b:s3+s2] =	stream.indirect_vreg.scatter [tilespmem:s8], [sflag:$0x1], $0x80, v4, vm0, $0xb8;
	[tilespmem:$0xC100] =	vst v63  }
0x71: {  	v3 =	vadd.s32 v1, v3  }
0x72: {  	[hbm4b:s4+s2] =	stream.indirect_vreg.scatter [tilespmem:s9], [sflag:$0x1], $0x80, v4, vm0, $0xb8;
	[tilespmem:$0xC100] =	vst v63  }
0x73: {  	_ = 	snop  }
0x74: {  	[hbm4b:s5+s2] =	stream.indirect_vreg.scatter [tilespmem:s10], [sflag:$0x1], $0x80, v4, vm0, $0xb8;
	[tilespmem:$0xC100] =	vst v63  }
0x75: {  	_ = 	snop  }
0x76: {  	[hbm4b:s3+s2] =	stream.indirect_vreg.scatter [tilespmem:s11], [sflag:$0x1], $0x80, v3, vm0, $0xb8;
	[tilespmem:$0xC100] =	vst v63  }
0x77: {  	_ = 	snop  }
0x78: {  	[hbm4b:s4+s2] =	stream.indirect_vreg.scatter [tilespmem:s12], [sflag:$0x1], $0x80, v3, vm0, $0xb8;
	[tilespmem:$0xC100] =	vst v63  }
0x79: {  	_ = 	snop  }
0x7a: {  	[hbm4b:s5+s2] =	stream.indirect_vreg.scatter [tilespmem:s13], [sflag:$0x1], $0x80, v3, vm0, $0xb8;
	[tilespmem:$0xC100] =	vst v63  }
0x7b: {  	v3 =	vld [tilespmem:$0x90];
	_ =	sdelay $0x4  }
0x7c: {  	v61 =	vshrl.u32 v3, $0x3  }
0x7d: {  	v4 =	vmul.u32 $0x30, v61  }
0x7e: {  	v3 =	vand.u32 $0x7, v3  }
0x7f: {  	v3 =	vor.u32 v3, v4  }
0x80: {  	v4 =	vperm.xlane v3, v0;
	_ =	sdelay $0x1  }
0x81: {  	v4 =	vadd.s32 v1, v4;
	_ =	sdelay $0x3  }
0x82: {  	v3 =	vperm.xlane v3, v2  }
0x83: {  	[hbm4b:s3+s2] =	stream.indirect_vreg.scatter [tilespmem:s14], [sflag:$0x1], $0x80, v4, vm0, $0xb8;
	[tilespmem:$0xC100] =	vst v63  }
0x84: {  	v3 =	vadd.s32 v1, v3  }
0x85: {  	[hbm4b:s4+s2] =	stream.indirect_vreg.scatter [tilespmem:s15], [sflag:$0x1], $0x80, v4, vm0, $0xb8;
	[tilespmem:$0xC100] =	vst v63  }
0x86: {  	_ = 	snop  }
0x87: {  	[hbm4b:s5+s2] =	stream.indirect_vreg.scatter [tilespmem:s16], [sflag:$0x1], $0x80, v4, vm0, $0xb8;
	[tilespmem:$0xC100] =	vst v63  }
0x88: {  	_ = 	snop  }
0x89: {  	[hbm4b:s3+s2] =	stream.indirect_vreg.scatter [tilespmem:s17], [sflag:$0x1], $0x80, v3, vm0, $0xb8;
	[tilespmem:$0xC100] =	vst v63  }
0x8a: {  	_ = 	snop  }
0x8b: {  	[hbm4b:s4+s2] =	stream.indirect_vreg.scatter [tilespmem:s18], [sflag:$0x1], $0x80, v3, vm0, $0xb8;
	[tilespmem:$0xC100] =	vst v63  }
0x8c: {  	_ = 	snop  }
0x8d: {  	[hbm4b:s5+s2] =	stream.indirect_vreg.scatter [tilespmem:s19], [sflag:$0x1], $0x80, v3, vm0, $0xb8;
	[tilespmem:$0xC100] =	vst v63  }
0x8e: {  	v3 =	vld [tilespmem:$0xA0];
	_ =	sdelay $0x4  }
0x8f: {  	v62 =	vshrl.u32 v3, $0x3  }
0x90: {  	v4 =	vmul.u32 $0x30, v62  }
0x91: {  	v3 =	vand.u32 $0x7, v3  }
0x92: {  	v3 =	vor.u32 v3, v4  }
0x93: {  	v4 =	vperm.xlane v3, v0;
	_ =	sdelay $0x1  }
0x94: {  	v4 =	vadd.s32 v1, v4;
	_ =	sdelay $0x3  }
0x95: {  	v3 =	vperm.xlane v3, v2  }
0x96: {  	[hbm4b:s3+s2] =	stream.indirect_vreg.scatter [tilespmem:s20], [sflag:$0x1], $0x80, v4, vm0, $0xb8;
	[tilespmem:$0xC100] =	vst v63  }
0x97: {  	v3 =	vadd.s32 v1, v3  }
0x98: {  	[hbm4b:s4+s2] =	stream.indirect_vreg.scatter [tilespmem:s21], [sflag:$0x1], $0x80, v4, vm0, $0xb8;
	[tilespmem:$0xC100] =	vst v63  }
0x99: {  	_ = 	snop  }
0x9a: {  	[hbm4b:s5+s2] =	stream.indirect_vreg.scatter [tilespmem:s22], [sflag:$0x1], $0x80, v4, vm0, $0xb8;
	[tilespmem:$0xC100] =	vst v63  }
0x9b: {  	_ = 	snop  }
0x9c: {  	[hbm4b:s3+s2] =	stream.indirect_vreg.scatter [tilespmem:s23], [sflag:$0x1], $0x80, v3, vm0, $0xb8;
	[tilespmem:$0xC100] =	vst v63  }
0x9d: {  	_ = 	snop  }
0x9e: {  	[hbm4b:s4+s2] =	stream.indirect_vreg.scatter [tilespmem:s24], [sflag:$0x1], $0x80, v3, vm0, $0xb8;
	[tilespmem:$0xC100] =	vst v63  }
0x9f: {  	_ = 	snop  }
0xa0: {  	[hbm4b:s5+s2] =	stream.indirect_vreg.scatter [tilespmem:s25], [sflag:$0x1], $0x80, v3, vm0, $0xb8;
	[tilespmem:$0xC100] =	vst v63  }
0xa1: {  	v3 =	vld [tilespmem:$0xB0];
	_ =	sdelay $0x4  }
0xa2: {  	v63 =	vshrl.u32 v3, $0x3  }
0xa3: {  	v4 =	vmul.u32 $0x30, v63  }
0xa4: {  	v3 =	vand.u32 $0x7, v3  }
0xa5: {  	v3 =	vor.u32 v3, v4  }
0xa6: {  	v4 =	vperm.xlane v3, v0;
	_ =	sdelay $0x1  }
0xa7: {  	v4 =	vadd.s32 v1, v4;
	_ =	sdelay $0x3  }
0xa8: {  	v3 =	vperm.xlane v3, v2  }
0xa9: {  	[hbm4b:s3+s2] =	stream.indirect_vreg.scatter [tilespmem:s26], [sflag:$0x1], $0x80, v4, vm0, $0xb8;
	[tilespmem:$0xC100] =	vst v63  }
0xaa: {  	v3 =	vadd.s32 v1, v3  }
0xab: {  	[hbm4b:s4+s2] =	stream.indirect_vreg.scatter [tilespmem:s28], [sflag:$0x1], $0x80, v4, vm0, $0xb8;
	[tilespmem:$0xC100] =	vst v63  }
0xac: {  	_ = 	snop  }
0xad: {  	[hbm4b:s5+s2] =	stream.indirect_vreg.scatter [tilespmem:s29], [sflag:$0x1], $0x80, v4, vm0, $0xb8;
	[tilespmem:$0xC100] =	vst v63  }
0xae: {  	_ = 	snop  }
0xaf: {  	[hbm4b:s3+s2] =	stream.indirect_vreg.scatter [tilespmem:s30], [sflag:$0x1], $0x80, v3, vm0, $0xb8;
	[tilespmem:$0xC100] =	vst v63  }
0xb0: {  	_ = 	snop  }
0xb1: {  	[hbm4b:s4+s2] =	stream.indirect_vreg.scatter [tilespmem:s31], [sflag:$0x1], $0x80, v3, vm0, $0xb8;
	[tilespmem:$0xC100] =	vst v63  }
0xb2: {  	_ = 	snop  }
0xb3: {  	[hbm4b:s5+s2] =	stream.indirect_vreg.scatter [tilespmem:s0], [sflag:$0x1], $0x80, v3, vm0, $0xb8;
	[tilespmem:$0xC100] =	vst v63  }
0xb4: {  	p0 =	sne.s32 s6, $0x1;
	_ =	swait.ge [sflag:s1], $0xC000  }
.Ltmp0:
0xb5: {  	[sflag:s1] =	ssyncset.done $0x0;
	(pc) =	sbr.rel @p0 .LBB2_1-.Ltmp0, $4  }
0xb6: {  	[sflag:s1] =	ssyncadd.s32 $0xFFFF4000  }
0xb7: {  	_ =	swait.ge [sflag:s1], $0xC000  }
0xb8: {  	[sflag:s1] =	ssyncset.done $0x0  }
0xb9: {  	s6 =	sadd.s32 $0xFFFFFFFF, s6;
	[sflag:s1] =	ssyncadd.s32 $0xFFFF4000  }
0xba: {  	_ =	sfence.sel $0x180000  }
0xbb: {  	[bflag:$0x0] =	sbarrier.arrive $0xFFFF  }
0xbc: {  	_ =	strace $0x90000047  }
0xbd: {  	s0 =	stileid.u32;
	[bflag:$0x2] =	sbarrier.arrive $0xFFFF  }
0xbe: {  	p0 =	sne.s32 s0, $0x0;
	s0 =	rddreg [dreg:$0x2]  }
0xbf: {  	s0 =	sadd.s32 @!p0 $0x100000, s0  }
0xc0: {  	[sflag:s0] =	ssyncadd.tile.s32 @!p0 $0x1;
	_ =	shalt  }
.Lfunc_end2:
_tile_overlayer_lowered:
.L_overlay_start_2:
0xc1: {  	(tag) =	ssettag $0x2  }
0xc2: {  	s0 =	rddreg [dreg:$0x0];
	s2 =	stileid.u32  }
0xc3: {  	s1 =	rddreg [dreg:$0x1];
	p0 =	sne.s32 s2, $0x0  }
0xc4: {  	s3 =	rddreg [dreg:$0x2];
	[bflag:$0x3] =	sbarrier.arrive $0xFFFF;
	s2 =	simm.s32 @!p0 $0x1C02  }
0xc5: {  	[timem:s3], [sflag:s2] =	dma.local @!p0 [hbm:s0], s1  }
0xc6: {  	s0 =	simm.s32 @!p0 $0x2  }
0xc7: {  	_ =	swait.ge @!p0 [sflag:s0], s1  }
0xc8: {  	s1 =	ssub.s32 @!p0 $0x0, s1;
	[sflag:s0] =	ssyncset.done @!p0 $0x0  }
0xc9: {  	[sflag:s0] =	ssyncadd.s32 @!p0 s1  }
0xca: {  	[bflag:$0x3] =	sbarrier.arrive $0xFFFF  }
0xcb: {  	_ =	shalt  }

</sc_bundles>
